<compile_context>
chip_gen: v7x
topology: tpu7x:2x2x1
jax: 0.10.2.dev20260603
libtpu: 0.0.44.dev20260713+nightly
codegen_flags: <defaults>
</compile_context>

<pallas_src>
import functools

import jax
import jax.numpy as jnp
from jax import lax
from jax.experimental import pallas as pl
from jax.experimental.pallas import tpu as pltpu
from jax.experimental.pallas import tpu_sc as plsc

N = 10000
E = 320000
H = 128
C = 40
CP = 128
EPS = 1e-5

NC = 2
NS = 16
NW = NC * NS
EPW = E // NW
B = 80
CHUNKS = EPW // B
NP = 10240
RPT = NP // NS

_MESH = plsc.VectorSubcoreMesh(core_axis_name="c", subcore_axis_name="s")


def _zero_rows(ref, nrows, d):
    dv = d // 16

    def body(i, _):
        r = i // dv
        col = (i % dv) * 16
        ref[r, pl.ds(col, 16)] = jnp.zeros((16,), jnp.float32)
        return ()

    lax.fori_loop(0, nrows * dv, body, ())


def _zero_acc_slice(acc_sh, zbuf, s):
    base = s * RPT

    def body(k, _):
        pltpu.sync_copy(zbuf, acc_sh.at[pl.ds(base + k * B, B)])
        return ()

    lax.fori_loop(0, RPT // B, body, ())


def _make_sc_edge_pass(d):

    @functools.partial(
        pl.kernel,
        out_type=jax.ShapeDtypeStruct((NC, NP, d), jnp.float32),
        mesh=_MESH,
        scratch_types=[
            pltpu.VMEM((CHUNKS, B), jnp.int32),
            pltpu.VMEM((CHUNKS, B), jnp.int32),
            pltpu.VMEM((B, d), jnp.float32),
            pltpu.VMEM_SHARED((NP, d), jnp.float32),
            pltpu.SemaphoreType.DMA,
        ],
    )
    def sc_edge_pass(y_hbm, src_hbm, dst_hbm, out_hbm, src_v, dst_v, rows_v,
                     acc_sh, sem):
        c = lax.axis_index("c")
        s = lax.axis_index("s")
        wid = c * NS + s
        pltpu.sync_copy(src_hbm.at[wid], src_v)
        pltpu.sync_copy(dst_hbm.at[wid], dst_v)
        _zero_rows(rows_v, B, d)
        _zero_acc_slice(acc_sh, rows_v, s)
        plsc.subcore_barrier()

        def chunk(j, _):
            pltpu.async_copy(y_hbm.at[src_v.at[j]], rows_v, sem).wait()
            pltpu.sync_copy(rows_v, acc_sh.at[dst_v.at[j]], add=True)
            return ()

        lax.fori_loop(0, CHUNKS, chunk, ())
        plsc.subcore_barrier()
        pltpu.sync_copy(acc_sh.at[pl.ds(s * RPT, RPT)],
                        out_hbm.at[c, pl.ds(s * RPT, RPT)])

    return sc_edge_pass


_sc_edge_pass_h = _make_sc_edge_pass(H)


@functools.partial(
    pl.kernel,
    out_type=jax.ShapeDtypeStruct((NC, NP, H), jnp.float32),
    mesh=_MESH,
    scratch_types=[
        pltpu.VMEM((CHUNKS, B), jnp.int32),
        pltpu.VMEM((B, H), jnp.float32),
        pltpu.VMEM_SHARED((NP, H), jnp.float32),
    ],
)
def _sc_degree(dst_hbm, out_hbm, dst_v, ones_v, acc_sh):
    c = lax.axis_index("c")
    s = lax.axis_index("s")
    wid = c * NS + s
    pltpu.sync_copy(dst_hbm.at[wid], dst_v)
    _zero_rows(ones_v, B, H)
    _zero_acc_slice(acc_sh, ones_v, s)

    dv = H // 16

    def fill(i, _):
        ones_v[i // dv, pl.ds((i % dv) * 16, 16)] = jnp.ones((16,), jnp.float32)
        return ()

    lax.fori_loop(0, B * dv, fill, ())
    plsc.subcore_barrier()

    def chunk(j, _):
        pltpu.sync_copy(ones_v, acc_sh.at[dst_v.at[j]], add=True)
        return ()

    lax.fori_loop(0, CHUNKS, chunk, ())
    plsc.subcore_barrier()
    pltpu.sync_copy(acc_sh.at[pl.ds(s * RPT, RPT)],
                    out_hbm.at[c, pl.ds(s * RPT, RPT)])


BN_TC = 1000


def _dinv_from(degp_ref):
    deg = degp_ref[0, :, 0] + degp_ref[1, :, 0] + 1.0
    return lax.rsqrt(deg)[:, None]


def _tc_in(x, w1, degp):
    def body(x_ref, w_ref, degp_ref, y_ref):
        dinv = _dinv_from(degp_ref)
        y_ref[...] = dinv * jnp.dot(x_ref[...], w_ref[...],
                                    preferred_element_type=jnp.float32)

    return pl.pallas_call(
        body,
        grid=(N // BN_TC,),
        in_specs=[
            pl.BlockSpec((BN_TC, H), lambda i: (i, 0)),
            pl.BlockSpec((H, H), lambda i: (0, 0)),
            pl.BlockSpec((NC, BN_TC, H), lambda i: (0, i, 0)),
        ],
        out_specs=pl.BlockSpec((BN_TC, H), lambda i: (i, 0)),
        out_shape=jax.ShapeDtypeStruct((N, H), jnp.float32),
    )(x, w1, degp)


def _tc_mid(accp, y, degp, w_next, g, be, b, res, dout):
    use_res = res is not None
    bn_s = 1.0 / (1.0 + EPS) ** 0.5

    def body(*refs):
        if use_res:
            a_ref, y_ref, degp_ref, w_ref, g_ref, be_ref, b_ref, r_ref, o_ref = refs
        else:
            a_ref, y_ref, degp_ref, w_ref, g_ref, be_ref, b_ref, o_ref = refs
        dinv = _dinv_from(degp_ref)
        conv = dinv * (a_ref[0] + a_ref[1] + y_ref[...]) + b_ref[...]
        h = conv * (g_ref[...] * bn_s) + be_ref[...]
        if use_res:
            h = h + r_ref[...]
        h = jnp.maximum(h, 0.0)
        o_ref[...] = dinv * jnp.dot(h, w_ref[...],
                                    preferred_element_type=jnp.float32)

    in_specs = [
        pl.BlockSpec((NC, BN_TC, H), lambda i: (0, i, 0)),
        pl.BlockSpec((BN_TC, H), lambda i: (i, 0)),
        pl.BlockSpec((NC, BN_TC, H), lambda i: (0, i, 0)),
        pl.BlockSpec((H, dout), lambda i: (0, 0)),
        pl.BlockSpec((1, H), lambda i: (0, 0)),
        pl.BlockSpec((1, H), lambda i: (0, 0)),
        pl.BlockSpec((1, H), lambda i: (0, 0)),
    ]
    args = [accp, y, degp, w_next, g, be, b]
    if use_res:
        in_specs.append(pl.BlockSpec((BN_TC, H), lambda i: (i, 0)))
        args.append(res)
    return pl.pallas_call(
        body,
        grid=(N // BN_TC,),
        in_specs=in_specs,
        out_specs=pl.BlockSpec((BN_TC, dout), lambda i: (i, 0)),
        out_shape=jax.ShapeDtypeStruct((N, dout), jnp.float32),
    )(*args)


def _tc_out(accp, y, degp, b3p):
    def body(a_ref, y_ref, degp_ref, b_ref, o_ref):
        dinv = _dinv_from(degp_ref)
        o = dinv * (a_ref[0] + a_ref[1] + y_ref[...]) + b_ref[...]
        col = lax.broadcasted_iota(jnp.int32, (BN_TC, CP), 1)
        o = jnp.where(col < C, o, -jnp.inf)
        m = jnp.max(o, axis=1, keepdims=True)
        z = o - m
        o_ref[...] = z - jnp.log(jnp.sum(jnp.exp(z), axis=1, keepdims=True))

    return pl.pallas_call(
        body,
        grid=(N // BN_TC,),
        in_specs=[
            pl.BlockSpec((NC, BN_TC, CP), lambda i: (0, i, 0)),
            pl.BlockSpec((BN_TC, CP), lambda i: (i, 0)),
            pl.BlockSpec((NC, BN_TC, H), lambda i: (0, i, 0)),
            pl.BlockSpec((1, CP), lambda i: (0, 0)),
        ],
        out_specs=pl.BlockSpec((BN_TC, CP), lambda i: (i, 0)),
        out_shape=jax.ShapeDtypeStruct((N, CP), jnp.float32),
    )(accp, y, degp, b3p)


def kernel(x, edge_index, W1, b1, g1, be1, W2, b2, g2, be2, W3, b3):
    src3 = edge_index[0].reshape(NW, CHUNKS, B)
    dst3 = edge_index[1].reshape(NW, CHUNKS, B)
    g1r, be1r, b1r = g1.reshape(1, H), be1.reshape(1, H), b1.reshape(1, H)
    g2r, be2r, b2r = g2.reshape(1, H), be2.reshape(1, H), b2.reshape(1, H)
    w3p = jnp.pad(W3, ((0, 0), (0, CP - C)))
    b3p = jnp.pad(b3, (0, CP - C)).reshape(1, CP)

    degp = _sc_degree(dst3)
    y1 = _tc_in(x, W1, degp)
    a1 = _sc_edge_pass_h(y1, src3, dst3)
    y2 = _tc_mid(a1, y1, degp, W2, g1r, be1r, b1r, x, H)
    a2 = _sc_edge_pass_h(y2, src3, dst3)
    y3 = _tc_mid(a2, y2, degp, w3p, g2r, be2r, b2r, None, CP)
    a3 = _sc_edge_pass_h(y3, src3, dst3)
    o = _tc_out(a3, y3, degp, b3p)
    return o[:, :C]

# --- scband reference (transcript-rebuilt; emitter-appended) ---
"""Pipeline reference for scband-enhanced-graph-neural-network-4810363372589 (READ-ONLY COPY).

The authoritative reference and input builder live on the scoring server;
editing this copy changes nothing except your own understanding.
"""

import jax, jax.numpy as jnp
import numpy as np

N = 10000
E = 320000
F_IN = 128
H = 128
C = 40
EPS = 1e-5


def setup_inputs(seed: int = 0) -> dict:
    key = jax.random.key(seed)
    ks = jax.random.split(key, 12)
    x = jax.random.normal(ks[0], (N, F_IN), dtype=jnp.float32)
    edge_index = jax.random.randint(ks[1], (2, E), 0, N, dtype=jnp.int32)
    W1 = jax.random.normal(ks[2], (F_IN, H), dtype=jnp.float32) * 0.05
    b1 = jnp.zeros((H,), dtype=jnp.float32)
    g1 = jnp.ones((H,), dtype=jnp.float32)
    be1 = jnp.zeros((H,), dtype=jnp.float32)
    W2 = jax.random.normal(ks[3], (H, H), dtype=jnp.float32) * 0.05
    b2 = jnp.zeros((H,), dtype=jnp.float32)
    g2 = jnp.ones((H,), dtype=jnp.float32)
    be2 = jnp.zeros((H,), dtype=jnp.float32)
    W3 = jax.random.normal(ks[4], (H, C), dtype=jnp.float32) * 0.05
    b3 = jnp.zeros((C,), dtype=jnp.float32)
    return {"x": x, "edge_index": edge_index, "W1": W1, "b1": b1, "g1": g1, "be1": be1,
            "W2": W2, "b2": b2, "g2": g2, "be2": be2, "W3": W3, "b3": b3}


def _gcn_conv(x, edge_index, W, b):
    # PyG GCNConv: x' = D^{-1/2} (A+I) D^{-1/2} (X W) + b
    h = x @ W
    loop = jnp.arange(N, dtype=edge_index.dtype)
    src = jnp.concatenate([edge_index[0], loop])
    dst = jnp.concatenate([edge_index[1], loop])
    deg = jnp.zeros((N,), dtype=h.dtype).at[dst].add(1.0)
    dinv = jnp.where(deg > 0, jax.lax.rsqrt(deg), 0.0)
    norm = dinv[src] * dinv[dst]
    msg = h[src] * norm[:, None]
    out = jnp.zeros((N, h.shape[1]), dtype=h.dtype).at[dst].add(msg)
    return out + b


def _bn_eval(x, g, b):
    # BatchNorm1d in eval mode with running_mean=0, running_var=1
    return x / jnp.sqrt(1.0 + EPS) * g + b


def _log_softmax(x):
    m = jnp.max(x, axis=1, keepdims=True)
    z = x - m
    return z - jnp.log(jnp.sum(jnp.exp(z), axis=1, keepdims=True))


def reference(x, edge_index, W1, b1, g1, be1, W2, b2, g2, be2, W3, b3):
    original_x = x
    # layer 0
    h = _gcn_conv(x, edge_index, W1, b1)
    h = _bn_eval(h, g1, be1)
    # residual: hidden_dim == num_features, so residual applies at i == 0
    h = h + original_x
    h = jax.nn.relu(h)
    # dropout is a no-op in eval mode
    # layer 1
    h = _gcn_conv(h, edge_index, W2, b2)
    h = _bn_eval(h, g2, be2)
    h = jax.nn.relu(h)
    # layer 2 (output)
    h = _gcn_conv(h, edge_index, W3, b3)
    return _log_softmax(h)

if __name__ == "__main__":
    import jax
    _d = setup_inputs()
    print(jax.jit(kernel)(*tuple(_d.values())))

</pallas_src>

<mosaic_0001>
#map = affine_map<(d0, d1) -> (0, 0, 0)>
module attributes {stable_mosaic.version = 14 : i64} {
  func.func @_sc_degree(%arg0: i32, %arg1: i32, %arg2: memref<32x125x80xi32, #tpu.memory_space<hbm>>, %arg3: memref<2x10240x128xf32, #tpu.memory_space<hbm>>, %arg4: memref<125x80xi32, #tpu.memory_space<vmem>>, %arg5: memref<80x128xf32, #tpu.memory_space<vmem>>, %arg6: memref<10240x128xf32, #tpu.memory_space<vmem_shared>>) attributes {dimension_semantics = [#tpu.dimension_semantics<core_parallel>, #tpu.dimension_semantics<subcore_parallel>], iteration_bounds = array<i64: 2, 16>, scalar_prefetch = 0 : i64, scratch_operands = 3 : i64, tpu.core_type = #tpu.core_type<sc_vector_subcore>, window_params = [{transform_indices = #map}, {transform_indices = #map}]} {
    %mul3A = arith.constant 16 : i32
    %mul3A_0 = arith.muli %arg0, %mul3A : i32
    %add3A = arith.addi %mul3A_0, %arg1 : i32
    "tpu.region"() ({
      %run_scoped3A = tpu.sem_alloc : memref<!tpu.dma_semaphore, #tpu.memory_space<semaphore_mem>>
      %dma_start3A = arith.constant 0 : i32
      %dma_start3A_27 = arith.constant 0 : i32
      %dma_start3A_28 = tpu.memref_slice %arg2[%add3A, %dma_start3A, %dma_start3A_27] : memref<32x125x80xi32, #tpu.memory_space<hbm>> -> memref<1x125x80xi32, #tpu.memory_space<hbm>>
      %dma_start3A_29 = tpu.memref_squeeze %dma_start3A_28 : memref<1x125x80xi32, #tpu.memory_space<hbm>> -> memref<125x80xi32, #tpu.memory_space<hbm>>
      %dma_start3A_30 = arith.constant 0 : i32
      %dma_start3A_31 = arith.constant 0 : i32
      %dma_start3A_32 = tpu.memref_slice %arg2[%add3A, %dma_start3A_30, %dma_start3A_31] : memref<32x125x80xi32, #tpu.memory_space<hbm>> -> memref<1x125x80xi32, #tpu.memory_space<hbm>>
      %dma_start3A_33 = tpu.memref_squeeze %dma_start3A_32 : memref<1x125x80xi32, #tpu.memory_space<hbm>> -> memref<125x80xi32, #tpu.memory_space<hbm>>
      tpu.enqueue_dma source(%dma_start3A_33 : memref<125x80xi32, #tpu.memory_space<hbm>>) target(%arg4 : memref<125x80xi32, #tpu.memory_space<vmem>>) target_semaphore(%run_scoped3A : memref<!tpu.dma_semaphore, #tpu.memory_space<semaphore_mem>>)
      %dma_wait3A = arith.constant 0 : i32
      %dma_wait3A_34 = arith.constant 0 : i32
      %dma_wait3A_35 = tpu.memref_slice %arg2[%add3A, %dma_wait3A, %dma_wait3A_34] : memref<32x125x80xi32, #tpu.memory_space<hbm>> -> memref<1x125x80xi32, #tpu.memory_space<hbm>>
      %dma_wait3A_36 = tpu.memref_squeeze %dma_wait3A_35 : memref<1x125x80xi32, #tpu.memory_space<hbm>> -> memref<125x80xi32, #tpu.memory_space<hbm>>
      %dma_wait3A_37 = arith.constant 0 : i32
      %dma_wait3A_38 = arith.constant 0 : i32
      %dma_wait3A_39 = tpu.memref_slice %arg2[%add3A, %dma_wait3A_37, %dma_wait3A_38] : memref<32x125x80xi32, #tpu.memory_space<hbm>> -> memref<1x125x80xi32, #tpu.memory_space<hbm>>
      %dma_wait3A_40 = tpu.memref_squeeze %dma_wait3A_39 : memref<1x125x80xi32, #tpu.memory_space<hbm>> -> memref<125x80xi32, #tpu.memory_space<hbm>>
      tpu.wait_dma2 semaphore(%run_scoped3A : memref<!tpu.dma_semaphore, #tpu.memory_space<semaphore_mem>>) src(%dma_wait3A_40 : memref<125x80xi32, #tpu.memory_space<hbm>>) dst(%arg4 : memref<125x80xi32, #tpu.memory_space<vmem>>)
      tpu.yield
    }) : () -> ()
    %scan3A = arith.constant 0 : i32
    %scan3A_1 = arith.constant 640 : i32
    %scan3A_2 = arith.addi %scan3A, %scan3A_1 : i32
    %scan3A_3 = arith.constant 1 : i32
    scf.for %scan3A_27 = %scan3A to %scan3A_2 step %scan3A_3  : i32 {
      %jit3A = arith.constant 8 : i32
      %div3A = arith.divsi %scan3A_27, %jit3A : i32
      %sign3A = arith.constant 0 : i32
      %sign3A_28 = arith.cmpi sgt, %scan3A_27, %sign3A : i32
      %sign3A_29 = arith.extui %sign3A_28 : i1 to i32
      %sign3A_30 = arith.constant 0 : i32
      %sign3A_31 = arith.cmpi slt, %scan3A_27, %sign3A_30 : i32
      %sign3A_32 = arith.extui %sign3A_31 : i1 to i32
      %sign3A_33 = arith.subi %sign3A_29, %sign3A_32 : i32
      %sign3A_34 = arith.constant 0 : i32
      %sign3A_35 = arith.cmpi sgt, %jit3A, %sign3A_34 : i32
      %sign3A_36 = arith.extui %sign3A_35 : i1 to i32
      %sign3A_37 = arith.constant 0 : i32
      %sign3A_38 = arith.cmpi slt, %jit3A, %sign3A_37 : i32
      %sign3A_39 = arith.extui %sign3A_38 : i1 to i32
      %sign3A_40 = arith.subi %sign3A_36, %sign3A_39 : i32
      %ne3A = arith.cmpi ne, %sign3A_33, %sign3A_40 : i32
      %rem3A = arith.remsi %scan3A_27, %jit3A : i32
      %ne3A_41 = arith.constant 0 : i32
      %ne3A_42 = arith.cmpi ne, %rem3A, %ne3A_41 : i32
      %and3A = arith.andi %ne3A, %ne3A_42 : i1
      %sub3A = arith.constant 1 : i32
      %sub3A_43 = arith.subi %div3A, %sub3A : i32
      %select_n3A = arith.select %and3A, %sub3A_43, %div3A : i32
      %jit3A_44 = arith.constant 8 : i32
      %eq3A = arith.constant 0 : i32
      %eq3A_45 = arith.cmpi eq, %jit3A_44, %eq3A : i32
      %jit3A_46 = arith.constant 1 : i32
      %select_n3A_47 = arith.select %eq3A_45, %jit3A_46, %jit3A_44 : i32
      %rem3A_48 = arith.remsi %scan3A_27, %select_n3A_47 : i32
      %ne3A_49 = arith.constant 0 : i32
      %ne3A_50 = arith.cmpi ne, %rem3A_48, %ne3A_49 : i32
      %lt3A = arith.constant 0 : i32
      %lt3A_51 = arith.cmpi slt, %rem3A_48, %lt3A : i32
      %lt3A_52 = arith.constant 0 : i32
      %lt3A_53 = arith.cmpi slt, %select_n3A_47, %lt3A_52 : i32
      %ne3A_54 = arith.xori %lt3A_51, %lt3A_53 : i1
      %and3A_55 = arith.andi %ne3A_54, %ne3A_50 : i1
      %add3A_56 = arith.addi %rem3A_48, %select_n3A_47 : i32
      %select_n3A_57 = arith.select %and3A_55, %add3A_56, %rem3A_48 : i32
      %mul3A_58 = arith.constant 16 : i32
      %mul3A_59 = arith.muli %select_n3A_57, %mul3A_58 : i32
      %broadcast_in_dim3A = arith.constant 0.000000e+00 : f32
      %broadcast_in_dim3A_60 = vector.broadcast %broadcast_in_dim3A : f32 to vector<16xf32>
      %swap3A = arith.index_cast %select_n3A : i32 to index
      %swap3A_61 = arith.index_cast %mul3A_59 : i32 to index
      %swap3A_62 = tpu.vector_load %arg5[%swap3A, %swap3A_61] {strides = array<i32>} : memref<80x128xf32, #tpu.memory_space<vmem>>, vector<1x16xf32>,
      %swap3A_63 = vector.shape_cast %swap3A_62 : vector<1x16xf32> to vector<16xf32>
      %swap3A_64 = vector.shape_cast %broadcast_in_dim3A_60 : vector<16xf32> to vector<1x16xf32>
      tpu.vector_store %arg5[%swap3A, %swap3A_61], %swap3A_64 {strides = array<i32>} : memref<80x128xf32, #tpu.memory_space<vmem>>, vector<1x16xf32>,
    }
    %scan3A_4 = arith.constant 640 : i32
    %mul3A_5 = arith.constant 640 : i32
    %mul3A_6 = arith.muli %arg1, %mul3A_5 : i32
    %scan3A_7 = arith.constant 0 : i32
    %scan3A_8 = arith.constant 8 : i32
    %scan3A_9 = arith.addi %scan3A_7, %scan3A_8 : i32
    %scan3A_10 = arith.constant 1 : i32
    scf.for %scan3A_27 = %scan3A_7 to %scan3A_9 step %scan3A_10  : i32 {
      %mul3A_28 = arith.constant 80 : i32
      %mul3A_29 = arith.muli %scan3A_27, %mul3A_28 : i32
      %add3A_30 = arith.addi %mul3A_6, %mul3A_29 : i32
      "tpu.region"() ({
        %run_scoped3A = tpu.sem_alloc : memref<!tpu.dma_semaphore, #tpu.memory_space<semaphore_mem>>
        %dma_start3A = arith.constant 0 : i32
        %dma_start3A_31 = tpu.memref_slice %arg6[%add3A_30, %dma_start3A] : memref<10240x128xf32, #tpu.memory_space<vmem_shared>> -> memref<80x128xf32, #tpu.memory_space<vmem_shared>>
        %dma_start3A_32 = arith.constant 0 : i32
        %dma_start3A_33 = tpu.memref_slice %arg6[%add3A_30, %dma_start3A_32] : memref<10240x128xf32, #tpu.memory_space<vmem_shared>> -> memref<80x128xf32, #tpu.memory_space<vmem_shared>>
        tpu.enqueue_dma source(%arg5 : memref<80x128xf32, #tpu.memory_space<vmem>>) target(%dma_start3A_33 : memref<80x128xf32, #tpu.memory_space<vmem_shared>>) target_semaphore(%run_scoped3A : memref<!tpu.dma_semaphore, #tpu.memory_space<semaphore_mem>>)
        %dma_wait3A = arith.constant 0 : i32
        %dma_wait3A_34 = tpu.memref_slice %arg6[%add3A_30, %dma_wait3A] : memref<10240x128xf32, #tpu.memory_space<vmem_shared>> -> memref<80x128xf32, #tpu.memory_space<vmem_shared>>
        %dma_wait3A_35 = arith.constant 0 : i32
        %dma_wait3A_36 = tpu.memref_slice %arg6[%add3A_30, %dma_wait3A_35] : memref<10240x128xf32, #tpu.memory_space<vmem_shared>> -> memref<80x128xf32, #tpu.memory_space<vmem_shared>>
        tpu.wait_dma2 semaphore(%run_scoped3A : memref<!tpu.dma_semaphore, #tpu.memory_space<semaphore_mem>>) src(%arg5 : memref<80x128xf32, #tpu.memory_space<vmem>>) dst(%dma_wait3A_36 : memref<80x128xf32, #tpu.memory_space<vmem_shared>>)
        tpu.yield
      }) : () -> ()
    }
    %scan3A_11 = arith.constant 8 : i32
    %scan3A_12 = arith.constant 0 : i32
    %scan3A_13 = arith.constant 640 : i32
    %scan3A_14 = arith.addi %scan3A_12, %scan3A_13 : i32
    %scan3A_15 = arith.constant 1 : i32
    scf.for %scan3A_27 = %scan3A_12 to %scan3A_14 step %scan3A_15  : i32 {
      %broadcast_in_dim3A = arith.constant 1.000000e+00 : f32
      %broadcast_in_dim3A_28 = vector.broadcast %broadcast_in_dim3A : f32 to vector<16xf32>
      %jit3A = arith.constant 8 : i32
      %div3A = arith.divsi %scan3A_27, %jit3A : i32
      %sign3A = arith.constant 0 : i32
      %sign3A_29 = arith.cmpi sgt, %scan3A_27, %sign3A : i32
      %sign3A_30 = arith.extui %sign3A_29 : i1 to i32
      %sign3A_31 = arith.constant 0 : i32
      %sign3A_32 = arith.cmpi slt, %scan3A_27, %sign3A_31 : i32
      %sign3A_33 = arith.extui %sign3A_32 : i1 to i32
      %sign3A_34 = arith.subi %sign3A_30, %sign3A_33 : i32
      %sign3A_35 = arith.constant 0 : i32
      %sign3A_36 = arith.cmpi sgt, %jit3A, %sign3A_35 : i32
      %sign3A_37 = arith.extui %sign3A_36 : i1 to i32
      %sign3A_38 = arith.constant 0 : i32
      %sign3A_39 = arith.cmpi slt, %jit3A, %sign3A_38 : i32
      %sign3A_40 = arith.extui %sign3A_39 : i1 to i32
      %sign3A_41 = arith.subi %sign3A_37, %sign3A_40 : i32
      %ne3A = arith.cmpi ne, %sign3A_34, %sign3A_41 : i32
      %rem3A = arith.remsi %scan3A_27, %jit3A : i32
      %ne3A_42 = arith.constant 0 : i32
      %ne3A_43 = arith.cmpi ne, %rem3A, %ne3A_42 : i32
      %and3A = arith.andi %ne3A, %ne3A_43 : i1
      %sub3A = arith.constant 1 : i32
      %sub3A_44 = arith.subi %div3A, %sub3A : i32
      %select_n3A = arith.select %and3A, %sub3A_44, %div3A : i32
      %jit3A_45 = arith.constant 8 : i32
      %eq3A = arith.constant 0 : i32
      %eq3A_46 = arith.cmpi eq, %jit3A_45, %eq3A : i32
      %jit3A_47 = arith.constant 1 : i32
      %select_n3A_48 = arith.select %eq3A_46, %jit3A_47, %jit3A_45 : i32
      %rem3A_49 = arith.remsi %scan3A_27, %select_n3A_48 : i32
      %ne3A_50 = arith.constant 0 : i32
      %ne3A_51 = arith.cmpi ne, %rem3A_49, %ne3A_50 : i32
      %lt3A = arith.constant 0 : i32
      %lt3A_52 = arith.cmpi slt, %rem3A_49, %lt3A : i32
      %lt3A_53 = arith.constant 0 : i32
      %lt3A_54 = arith.cmpi slt, %select_n3A_48, %lt3A_53 : i32
      %ne3A_55 = arith.xori %lt3A_52, %lt3A_54 : i1
      %and3A_56 = arith.andi %ne3A_55, %ne3A_51 : i1
      %add3A_57 = arith.addi %rem3A_49, %select_n3A_48 : i32
      %select_n3A_58 = arith.select %and3A_56, %add3A_57, %rem3A_49 : i32
      %mul3A_59 = arith.constant 16 : i32
      %mul3A_60 = arith.muli %select_n3A_58, %mul3A_59 : i32
      %swap3A = arith.index_cast %select_n3A : i32 to index
      %swap3A_61 = arith.index_cast %mul3A_60 : i32 to index
      %swap3A_62 = tpu.vector_load %arg5[%swap3A, %swap3A_61] {strides = array<i32>} : memref<80x128xf32, #tpu.memory_space<vmem>>, vector<1x16xf32>,
      %swap3A_63 = vector.shape_cast %swap3A_62 : vector<1x16xf32> to vector<16xf32>
      %swap3A_64 = vector.shape_cast %broadcast_in_dim3A_28 : vector<16xf32> to vector<1x16xf32>
      tpu.vector_store %arg5[%swap3A, %swap3A_61], %swap3A_64 {strides = array<i32>} : memref<80x128xf32, #tpu.memory_space<vmem>>, vector<1x16xf32>,
    }
    %scan3A_16 = arith.constant 640 : i32
    %barrier3A = arith.constant 0 : index
    tpu.barrier barrier_id(%barrier3A)
    %scan3A_17 = arith.constant 0 : i32
    %scan3A_18 = arith.constant 125 : i32
    %scan3A_19 = arith.addi %scan3A_17, %scan3A_18 : i32
    %scan3A_20 = arith.constant 1 : i32
    scf.for %scan3A_27 = %scan3A_17 to %scan3A_19 step %scan3A_20  : i32 {
      "tpu.region"() ({
        %run_scoped3A = tpu.sem_alloc : memref<!tpu.dma_semaphore, #tpu.memory_space<semaphore_mem>>
        %dma_start3A = arith.constant 0 : i32
        %dma_start3A_28 = tpu.memref_slice %arg4[%scan3A_27, %dma_start3A] : memref<125x80xi32, #tpu.memory_space<vmem>> -> memref<1x80xi32, #tpu.memory_space<vmem>>
        %dma_start3A_29 = tpu.memref_squeeze %dma_start3A_28 : memref<1x80xi32, #tpu.memory_space<vmem>> -> memref<80xi32, #tpu.memory_space<vmem>>
        %dma_start3A_30 = arith.constant 0 : i32
        %dma_start3A_31 = arith.constant 0 : i32
        %dma_start3A_32 = tpu.memref_slice %arg6[%dma_start3A_30, %dma_start3A_31] : memref<10240x128xf32, #tpu.memory_space<vmem_shared>> -> memref<10240x128xf32, #tpu.memory_space<vmem_shared>>
        tpu.enqueue_indirect_dma source(%arg5 : memref<80x128xf32, #tpu.memory_space<vmem>>) target(%dma_start3A_32 : memref<10240x128xf32, #tpu.memory_space<vmem_shared>>) offsets(%dma_start3A_29 : memref<80xi32, #tpu.memory_space<vmem>>) semaphore(%run_scoped3A : memref<!tpu.dma_semaphore, #tpu.memory_space<semaphore_mem>>) {add = true}
        %dma_wait3A = arith.constant 0 : i32
        %dma_wait3A_33 = tpu.memref_slice %arg4[%scan3A_27, %dma_wait3A] : memref<125x80xi32, #tpu.memory_space<vmem>> -> memref<1x80xi32, #tpu.memory_space<vmem>>
        %dma_wait3A_34 = tpu.memref_squeeze %dma_wait3A_33 : memref<1x80xi32, #tpu.memory_space<vmem>> -> memref<80xi32, #tpu.memory_space<vmem>>
        %dma_wait3A_35 = arith.constant 0 : i32
        %dma_wait3A_36 = arith.constant 0 : i32
        %dma_wait3A_37 = tpu.memref_slice %arg6[%dma_wait3A_35, %dma_wait3A_36] : memref<10240x128xf32, #tpu.memory_space<vmem_shared>> -> memref<10240x128xf32, #tpu.memory_space<vmem_shared>>
        tpu.wait_indirect_dma semaphore(%run_scoped3A : memref<!tpu.dma_semaphore, #tpu.memory_space<semaphore_mem>>) src(%arg5 : memref<80x128xf32, #tpu.memory_space<vmem>>) dst(%dma_wait3A_37 : memref<10240x128xf32, #tpu.memory_space<vmem_shared>>)
        tpu.yield
      }) : () -> ()
    }
    %scan3A_21 = arith.constant 125 : i32
    %barrier3A_22 = arith.constant 0 : index
    tpu.barrier barrier_id(%barrier3A_22)
    %mul3A_23 = arith.constant 640 : i32
    %mul3A_24 = arith.muli %arg1, %mul3A_23 : i32
    %mul3A_25 = arith.constant 640 : i32
    %mul3A_26 = arith.muli %arg1, %mul3A_25 : i32
    "tpu.region"() ({
      %run_scoped3A = tpu.sem_alloc : memref<!tpu.dma_semaphore, #tpu.memory_space<semaphore_mem>>
      %dma_start3A = arith.constant 0 : i32
      %dma_start3A_27 = tpu.memref_slice %arg3[%arg0, %mul3A_26, %dma_start3A] : memref<2x10240x128xf32, #tpu.memory_space<hbm>> -> memref<1x640x128xf32, #tpu.memory_space<hbm>>
      %dma_start3A_28 = tpu.memref_squeeze %dma_start3A_27 : memref<1x640x128xf32, #tpu.memory_space<hbm>> -> memref<640x128xf32, #tpu.memory_space<hbm>>
      %dma_start3A_29 = arith.constant 0 : i32
      %dma_start3A_30 = tpu.memref_slice %arg6[%mul3A_24, %dma_start3A_29] : memref<10240x128xf32, #tpu.memory_space<vmem_shared>> -> memref<640x128xf32, #tpu.memory_space<vmem_shared>>
      tpu.enqueue_dma source(%dma_start3A_30 : memref<640x128xf32, #tpu.memory_space<vmem_shared>>) target(%dma_start3A_28 : memref<640x128xf32, #tpu.memory_space<hbm>>) target_semaphore(%run_scoped3A : memref<!tpu.dma_semaphore, #tpu.memory_space<semaphore_mem>>)
      %dma_wait3A = arith.constant 0 : i32
      %dma_wait3A_31 = tpu.memref_slice %arg3[%arg0, %mul3A_26, %dma_wait3A] : memref<2x10240x128xf32, #tpu.memory_space<hbm>> -> memref<1x640x128xf32, #tpu.memory_space<hbm>>
      %dma_wait3A_32 = tpu.memref_squeeze %dma_wait3A_31 : memref<1x640x128xf32, #tpu.memory_space<hbm>> -> memref<640x128xf32, #tpu.memory_space<hbm>>
      %dma_wait3A_33 = arith.constant 0 : i32
      %dma_wait3A_34 = tpu.memref_slice %arg6[%mul3A_24, %dma_wait3A_33] : memref<10240x128xf32, #tpu.memory_space<vmem_shared>> -> memref<640x128xf32, #tpu.memory_space<vmem_shared>>
      tpu.wait_dma2 semaphore(%run_scoped3A : memref<!tpu.dma_semaphore, #tpu.memory_space<semaphore_mem>>) src(%dma_wait3A_34 : memref<640x128xf32, #tpu.memory_space<vmem_shared>>) dst(%dma_wait3A_32 : memref<640x128xf32, #tpu.memory_space<hbm>>)
      tpu.yield
    }) : () -> ()
    return
  }
}

#map = affine_map<(d0, d1) -> (0, 0)>
#map1 = affine_map<(d0, d1) -> (0, 0, 0)>
module attributes {stable_mosaic.version = 14 : i64} {
  func.func @sc_edge_pass(%arg0: i32, %arg1: i32, %arg2: memref<10000x128xf32, #tpu.memory_space<hbm>>, %arg3: memref<32x125x80xi32, #tpu.memory_space<hbm>>, %arg4: memref<32x125x80xi32, #tpu.memory_space<hbm>>, %arg5: memref<2x10240x128xf32, #tpu.memory_space<hbm>>, %arg6: memref<125x80xi32, #tpu.memory_space<vmem>>, %arg7: memref<125x80xi32, #tpu.memory_space<vmem>>, %arg8: memref<80x128xf32, #tpu.memory_space<vmem>>, %arg9: memref<10240x128xf32, #tpu.memory_space<vmem_shared>>, %arg10: memref<!tpu.dma_semaphore, #tpu.memory_space<semaphore_mem>>) attributes {dimension_semantics = [#tpu.dimension_semantics<core_parallel>, #tpu.dimension_semantics<subcore_parallel>], iteration_bounds = array<i64: 2, 16>, scalar_prefetch = 0 : i64, scratch_operands = 5 : i64, tpu.core_type = #tpu.core_type<sc_vector_subcore>, window_params = [{transform_indices = #map}, {transform_indices = #map1}, {transform_indices = #map1}, {transform_indices = #map1}]} {
    %mul3A = arith.constant 16 : i32
    %mul3A_0 = arith.muli %arg0, %mul3A : i32
    %add3A = arith.addi %mul3A_0, %arg1 : i32
    "tpu.region"() ({
      %run_scoped3A = tpu.sem_alloc : memref<!tpu.dma_semaphore, #tpu.memory_space<semaphore_mem>>
      %dma_start3A = arith.constant 0 : i32
      %dma_start3A_22 = arith.constant 0 : i32
      %dma_start3A_23 = tpu.memref_slice %arg3[%add3A, %dma_start3A, %dma_start3A_22] : memref<32x125x80xi32, #tpu.memory_space<hbm>> -> memref<1x125x80xi32, #tpu.memory_space<hbm>>
      %dma_start3A_24 = tpu.memref_squeeze %dma_start3A_23 : memref<1x125x80xi32, #tpu.memory_space<hbm>> -> memref<125x80xi32, #tpu.memory_space<hbm>>
      %dma_start3A_25 = arith.constant 0 : i32
      %dma_start3A_26 = arith.constant 0 : i32
      %dma_start3A_27 = tpu.memref_slice %arg3[%add3A, %dma_start3A_25, %dma_start3A_26] : memref<32x125x80xi32, #tpu.memory_space<hbm>> -> memref<1x125x80xi32, #tpu.memory_space<hbm>>
      %dma_start3A_28 = tpu.memref_squeeze %dma_start3A_27 : memref<1x125x80xi32, #tpu.memory_space<hbm>> -> memref<125x80xi32, #tpu.memory_space<hbm>>
      tpu.enqueue_dma source(%dma_start3A_28 : memref<125x80xi32, #tpu.memory_space<hbm>>) target(%arg6 : memref<125x80xi32, #tpu.memory_space<vmem>>) target_semaphore(%run_scoped3A : memref<!tpu.dma_semaphore, #tpu.memory_space<semaphore_mem>>)
      %dma_wait3A = arith.constant 0 : i32
      %dma_wait3A_29 = arith.constant 0 : i32
      %dma_wait3A_30 = tpu.memref_slice %arg3[%add3A, %dma_wait3A, %dma_wait3A_29] : memref<32x125x80xi32, #tpu.memory_space<hbm>> -> memref<1x125x80xi32, #tpu.memory_space<hbm>>
      %dma_wait3A_31 = tpu.memref_squeeze %dma_wait3A_30 : memref<1x125x80xi32, #tpu.memory_space<hbm>> -> memref<125x80xi32, #tpu.memory_space<hbm>>
      %dma_wait3A_32 = arith.constant 0 : i32
      %dma_wait3A_33 = arith.constant 0 : i32
      %dma_wait3A_34 = tpu.memref_slice %arg3[%add3A, %dma_wait3A_32, %dma_wait3A_33] : memref<32x125x80xi32, #tpu.memory_space<hbm>> -> memref<1x125x80xi32, #tpu.memory_space<hbm>>
      %dma_wait3A_35 = tpu.memref_squeeze %dma_wait3A_34 : memref<1x125x80xi32, #tpu.memory_space<hbm>> -> memref<125x80xi32, #tpu.memory_space<hbm>>
      tpu.wait_dma2 semaphore(%run_scoped3A : memref<!tpu.dma_semaphore, #tpu.memory_space<semaphore_mem>>) src(%dma_wait3A_35 : memref<125x80xi32, #tpu.memory_space<hbm>>) dst(%arg6 : memref<125x80xi32, #tpu.memory_space<vmem>>)
      tpu.yield
    }) : () -> ()
    "tpu.region"() ({
      %run_scoped3A = tpu.sem_alloc : memref<!tpu.dma_semaphore, #tpu.memory_space<semaphore_mem>>
      %dma_start3A = arith.constant 0 : i32
      %dma_start3A_22 = arith.constant 0 : i32
      %dma_start3A_23 = tpu.memref_slice %arg4[%add3A, %dma_start3A, %dma_start3A_22] : memref<32x125x80xi32, #tpu.memory_space<hbm>> -> memref<1x125x80xi32, #tpu.memory_space<hbm>>
      %dma_start3A_24 = tpu.memref_squeeze %dma_start3A_23 : memref<1x125x80xi32, #tpu.memory_space<hbm>> -> memref<125x80xi32, #tpu.memory_space<hbm>>
      %dma_start3A_25 = arith.constant 0 : i32
      %dma_start3A_26 = arith.constant 0 : i32
      %dma_start3A_27 = tpu.memref_slice %arg4[%add3A, %dma_start3A_25, %dma_start3A_26] : memref<32x125x80xi32, #tpu.memory_space<hbm>> -> memref<1x125x80xi32, #tpu.memory_space<hbm>>
      %dma_start3A_28 = tpu.memref_squeeze %dma_start3A_27 : memref<1x125x80xi32, #tpu.memory_space<hbm>> -> memref<125x80xi32, #tpu.memory_space<hbm>>
      tpu.enqueue_dma source(%dma_start3A_28 : memref<125x80xi32, #tpu.memory_space<hbm>>) target(%arg7 : memref<125x80xi32, #tpu.memory_space<vmem>>) target_semaphore(%run_scoped3A : memref<!tpu.dma_semaphore, #tpu.memory_space<semaphore_mem>>)
      %dma_wait3A = arith.constant 0 : i32
      %dma_wait3A_29 = arith.constant 0 : i32
      %dma_wait3A_30 = tpu.memref_slice %arg4[%add3A, %dma_wait3A, %dma_wait3A_29] : memref<32x125x80xi32, #tpu.memory_space<hbm>> -> memref<1x125x80xi32, #tpu.memory_space<hbm>>
      %dma_wait3A_31 = tpu.memref_squeeze %dma_wait3A_30 : memref<1x125x80xi32, #tpu.memory_space<hbm>> -> memref<125x80xi32, #tpu.memory_space<hbm>>
      %dma_wait3A_32 = arith.constant 0 : i32
      %dma_wait3A_33 = arith.constant 0 : i32
      %dma_wait3A_34 = tpu.memref_slice %arg4[%add3A, %dma_wait3A_32, %dma_wait3A_33] : memref<32x125x80xi32, #tpu.memory_space<hbm>> -> memref<1x125x80xi32, #tpu.memory_space<hbm>>
      %dma_wait3A_35 = tpu.memref_squeeze %dma_wait3A_34 : memref<1x125x80xi32, #tpu.memory_space<hbm>> -> memref<125x80xi32, #tpu.memory_space<hbm>>
      tpu.wait_dma2 semaphore(%run_scoped3A : memref<!tpu.dma_semaphore, #tpu.memory_space<semaphore_mem>>) src(%dma_wait3A_35 : memref<125x80xi32, #tpu.memory_space<hbm>>) dst(%arg7 : memref<125x80xi32, #tpu.memory_space<vmem>>)
      tpu.yield
    }) : () -> ()
    %scan3A = arith.constant 0 : i32
    %scan3A_1 = arith.constant 640 : i32
    %scan3A_2 = arith.addi %scan3A, %scan3A_1 : i32
    %scan3A_3 = arith.constant 1 : i32
    scf.for %scan3A_22 = %scan3A to %scan3A_2 step %scan3A_3  : i32 {
      %jit3A = arith.constant 8 : i32
      %div3A = arith.divsi %scan3A_22, %jit3A : i32
      %sign3A = arith.constant 0 : i32
      %sign3A_23 = arith.cmpi sgt, %scan3A_22, %sign3A : i32
      %sign3A_24 = arith.extui %sign3A_23 : i1 to i32
      %sign3A_25 = arith.constant 0 : i32
      %sign3A_26 = arith.cmpi slt, %scan3A_22, %sign3A_25 : i32
      %sign3A_27 = arith.extui %sign3A_26 : i1 to i32
      %sign3A_28 = arith.subi %sign3A_24, %sign3A_27 : i32
      %sign3A_29 = arith.constant 0 : i32
      %sign3A_30 = arith.cmpi sgt, %jit3A, %sign3A_29 : i32
      %sign3A_31 = arith.extui %sign3A_30 : i1 to i32
      %sign3A_32 = arith.constant 0 : i32
      %sign3A_33 = arith.cmpi slt, %jit3A, %sign3A_32 : i32
      %sign3A_34 = arith.extui %sign3A_33 : i1 to i32
      %sign3A_35 = arith.subi %sign3A_31, %sign3A_34 : i32
      %ne3A = arith.cmpi ne, %sign3A_28, %sign3A_35 : i32
      %rem3A = arith.remsi %scan3A_22, %jit3A : i32
      %ne3A_36 = arith.constant 0 : i32
      %ne3A_37 = arith.cmpi ne, %rem3A, %ne3A_36 : i32
      %and3A = arith.andi %ne3A, %ne3A_37 : i1
      %sub3A = arith.constant 1 : i32
      %sub3A_38 = arith.subi %div3A, %sub3A : i32
      %select_n3A = arith.select %and3A, %sub3A_38, %div3A : i32
      %jit3A_39 = arith.constant 8 : i32
      %eq3A = arith.constant 0 : i32
      %eq3A_40 = arith.cmpi eq, %jit3A_39, %eq3A : i32
      %jit3A_41 = arith.constant 1 : i32
      %select_n3A_42 = arith.select %eq3A_40, %jit3A_41, %jit3A_39 : i32
      %rem3A_43 = arith.remsi %scan3A_22, %select_n3A_42 : i32
      %ne3A_44 = arith.constant 0 : i32
      %ne3A_45 = arith.cmpi ne, %rem3A_43, %ne3A_44 : i32
      %lt3A = arith.constant 0 : i32
      %lt3A_46 = arith.cmpi slt, %rem3A_43, %lt3A : i32
      %lt3A_47 = arith.constant 0 : i32
      %lt3A_48 = arith.cmpi slt, %select_n3A_42, %lt3A_47 : i32
      %ne3A_49 = arith.xori %lt3A_46, %lt3A_48 : i1
      %and3A_50 = arith.andi %ne3A_49, %ne3A_45 : i1
      %add3A_51 = arith.addi %rem3A_43, %select_n3A_42 : i32
      %select_n3A_52 = arith.select %and3A_50, %add3A_51, %rem3A_43 : i32
      %mul3A_53 = arith.constant 16 : i32
      %mul3A_54 = arith.muli %select_n3A_52, %mul3A_53 : i32
      %broadcast_in_dim3A = arith.constant 0.000000e+00 : f32
      %broadcast_in_dim3A_55 = vector.broadcast %broadcast_in_dim3A : f32 to vector<16xf32>
      %swap3A = arith.index_cast %select_n3A : i32 to index
      %swap3A_56 = arith.index_cast %mul3A_54 : i32 to index
      %swap3A_57 = tpu.vector_load %arg8[%swap3A, %swap3A_56] {strides = array<i32>} : memref<80x128xf32, #tpu.memory_space<vmem>>, vector<1x16xf32>,
      %swap3A_58 = vector.shape_cast %swap3A_57 : vector<1x16xf32> to vector<16xf32>
      %swap3A_59 = vector.shape_cast %broadcast_in_dim3A_55 : vector<16xf32> to vector<1x16xf32>
      tpu.vector_store %arg8[%swap3A, %swap3A_56], %swap3A_59 {strides = array<i32>} : memref<80x128xf32, #tpu.memory_space<vmem>>, vector<1x16xf32>,
    }
    %scan3A_4 = arith.constant 640 : i32
    %mul3A_5 = arith.constant 640 : i32
    %mul3A_6 = arith.muli %arg1, %mul3A_5 : i32
    %scan3A_7 = arith.constant 0 : i32
    %scan3A_8 = arith.constant 8 : i32
    %scan3A_9 = arith.addi %scan3A_7, %scan3A_8 : i32
    %scan3A_10 = arith.constant 1 : i32
    scf.for %scan3A_22 = %scan3A_7 to %scan3A_9 step %scan3A_10  : i32 {
      %mul3A_23 = arith.constant 80 : i32
      %mul3A_24 = arith.muli %scan3A_22, %mul3A_23 : i32
      %add3A_25 = arith.addi %mul3A_6, %mul3A_24 : i32
      "tpu.region"() ({
        %run_scoped3A = tpu.sem_alloc : memref<!tpu.dma_semaphore, #tpu.memory_space<semaphore_mem>>
        %dma_start3A = arith.constant 0 : i32
        %dma_start3A_26 = tpu.memref_slice %arg9[%add3A_25, %dma_start3A] : memref<10240x128xf32, #tpu.memory_space<vmem_shared>> -> memref<80x128xf32, #tpu.memory_space<vmem_shared>>
        %dma_start3A_27 = arith.constant 0 : i32
        %dma_start3A_28 = tpu.memref_slice %arg9[%add3A_25, %dma_start3A_27] : memref<10240x128xf32, #tpu.memory_space<vmem_shared>> -> memref<80x128xf32, #tpu.memory_space<vmem_shared>>
        tpu.enqueue_dma source(%arg8 : memref<80x128xf32, #tpu.memory_space<vmem>>) target(%dma_start3A_28 : memref<80x128xf32, #tpu.memory_space<vmem_shared>>) target_semaphore(%run_scoped3A : memref<!tpu.dma_semaphore, #tpu.memory_space<semaphore_mem>>)
        %dma_wait3A = arith.constant 0 : i32
        %dma_wait3A_29 = tpu.memref_slice %arg9[%add3A_25, %dma_wait3A] : memref<10240x128xf32, #tpu.memory_space<vmem_shared>> -> memref<80x128xf32, #tpu.memory_space<vmem_shared>>
        %dma_wait3A_30 = arith.constant 0 : i32
        %dma_wait3A_31 = tpu.memref_slice %arg9[%add3A_25, %dma_wait3A_30] : memref<10240x128xf32, #tpu.memory_space<vmem_shared>> -> memref<80x128xf32, #tpu.memory_space<vmem_shared>>
        tpu.wait_dma2 semaphore(%run_scoped3A : memref<!tpu.dma_semaphore, #tpu.memory_space<semaphore_mem>>) src(%arg8 : memref<80x128xf32, #tpu.memory_space<vmem>>) dst(%dma_wait3A_31 : memref<80x128xf32, #tpu.memory_space<vmem_shared>>)
        tpu.yield
      }) : () -> ()
    }
    %scan3A_11 = arith.constant 8 : i32
    %barrier3A = arith.constant 0 : index
    tpu.barrier barrier_id(%barrier3A)
    %scan3A_12 = arith.constant 0 : i32
    %scan3A_13 = arith.constant 125 : i32
    %scan3A_14 = arith.addi %scan3A_12, %scan3A_13 : i32
    %scan3A_15 = arith.constant 1 : i32
    scf.for %scan3A_22 = %scan3A_12 to %scan3A_14 step %scan3A_15  : i32 {
      %dma_start3A = arith.constant 0 : i32
      %dma_start3A_23 = tpu.memref_slice %arg6[%scan3A_22, %dma_start3A] : memref<125x80xi32, #tpu.memory_space<vmem>> -> memref<1x80xi32, #tpu.memory_space<vmem>>
      %dma_start3A_24 = tpu.memref_squeeze %dma_start3A_23 : memref<1x80xi32, #tpu.memory_space<vmem>> -> memref<80xi32, #tpu.memory_space<vmem>>
      %dma_start3A_25 = arith.constant 0 : i32
      %dma_start3A_26 = arith.constant 0 : i32
      %dma_start3A_27 = tpu.memref_slice %arg2[%dma_start3A_25, %dma_start3A_26] : memref<10000x128xf32, #tpu.memory_space<hbm>> -> memref<10000x128xf32, #tpu.memory_space<hbm>>
      tpu.enqueue_indirect_dma source(%dma_start3A_27 : memref<10000x128xf32, #tpu.memory_space<hbm>>) target(%arg8 : memref<80x128xf32, #tpu.memory_space<vmem>>) offsets(%dma_start3A_24 : memref<80xi32, #tpu.memory_space<vmem>>) semaphore(%arg10 : memref<!tpu.dma_semaphore, #tpu.memory_space<semaphore_mem>>)
      %dma_wait3A = arith.constant 0 : i32
      %dma_wait3A_28 = tpu.memref_slice %arg6[%scan3A_22, %dma_wait3A] : memref<125x80xi32, #tpu.memory_space<vmem>> -> memref<1x80xi32, #tpu.memory_space<vmem>>
      %dma_wait3A_29 = tpu.memref_squeeze %dma_wait3A_28 : memref<1x80xi32, #tpu.memory_space<vmem>> -> memref<80xi32, #tpu.memory_space<vmem>>
      %dma_wait3A_30 = arith.constant 0 : i32
      %dma_wait3A_31 = arith.constant 0 : i32
      %dma_wait3A_32 = tpu.memref_slice %arg2[%dma_wait3A_30, %dma_wait3A_31] : memref<10000x128xf32, #tpu.memory_space<hbm>> -> memref<10000x128xf32, #tpu.memory_space<hbm>>
      tpu.wait_indirect_dma semaphore(%arg10 : memref<!tpu.dma_semaphore, #tpu.memory_space<semaphore_mem>>) src(%dma_wait3A_32 : memref<10000x128xf32, #tpu.memory_space<hbm>>) dst(%arg8 : memref<80x128xf32, #tpu.memory_space<vmem>>)
      "tpu.region"() ({
        %run_scoped3A = tpu.sem_alloc : memref<!tpu.dma_semaphore, #tpu.memory_space<semaphore_mem>>
        %dma_start3A_33 = arith.constant 0 : i32
        %dma_start3A_34 = tpu.memref_slice %arg7[%scan3A_22, %dma_start3A_33] : memref<125x80xi32, #tpu.memory_space<vmem>> -> memref<1x80xi32, #tpu.memory_space<vmem>>
        %dma_start3A_35 = tpu.memref_squeeze %dma_start3A_34 : memref<1x80xi32, #tpu.memory_space<vmem>> -> memref<80xi32, #tpu.memory_space<vmem>>
        %dma_start3A_36 = arith.constant 0 : i32
        %dma_start3A_37 = arith.constant 0 : i32
        %dma_start3A_38 = tpu.memref_slice %arg9[%dma_start3A_36, %dma_start3A_37] : memref<10240x128xf32, #tpu.memory_space<vmem_shared>> -> memref<10240x128xf32, #tpu.memory_space<vmem_shared>>
        tpu.enqueue_indirect_dma source(%arg8 : memref<80x128xf32, #tpu.memory_space<vmem>>) target(%dma_start3A_38 : memref<10240x128xf32, #tpu.memory_space<vmem_shared>>) offsets(%dma_start3A_35 : memref<80xi32, #tpu.memory_space<vmem>>) semaphore(%run_scoped3A : memref<!tpu.dma_semaphore, #tpu.memory_space<semaphore_mem>>) {add = true}
        %dma_wait3A_39 = arith.constant 0 : i32
        %dma_wait3A_40 = tpu.memref_slice %arg7[%scan3A_22, %dma_wait3A_39] : memref<125x80xi32, #tpu.memory_space<vmem>> -> memref<1x80xi32, #tpu.memory_space<vmem>>
        %dma_wait3A_41 = tpu.memref_squeeze %dma_wait3A_40 : memref<1x80xi32, #tpu.memory_space<vmem>> -> memref<80xi32, #tpu.memory_space<vmem>>
        %dma_wait3A_42 = arith.constant 0 : i32
        %dma_wait3A_43 = arith.constant 0 : i32
        %dma_wait3A_44 = tpu.memref_slice %arg9[%dma_wait3A_42, %dma_wait3A_43] : memref<10240x128xf32, #tpu.memory_space<vmem_shared>> -> memref<10240x128xf32, #tpu.memory_space<vmem_shared>>
        tpu.wait_indirect_dma semaphore(%run_scoped3A : memref<!tpu.dma_semaphore, #tpu.memory_space<semaphore_mem>>) src(%arg8 : memref<80x128xf32, #tpu.memory_space<vmem>>) dst(%dma_wait3A_44 : memref<10240x128xf32, #tpu.memory_space<vmem_shared>>)
        tpu.yield
      }) : () -> ()
    }
    %scan3A_16 = arith.constant 125 : i32
    %barrier3A_17 = arith.constant 0 : index
    tpu.barrier barrier_id(%barrier3A_17)
    %mul3A_18 = arith.constant 640 : i32
    %mul3A_19 = arith.muli %arg1, %mul3A_18 : i32
    %mul3A_20 = arith.constant 640 : i32
    %mul3A_21 = arith.muli %arg1, %mul3A_20 : i32
    "tpu.region"() ({
      %run_scoped3A = tpu.sem_alloc : memref<!tpu.dma_semaphore, #tpu.memory_space<semaphore_mem>>
      %dma_start3A = arith.constant 0 : i32
      %dma_start3A_22 = tpu.memref_slice %arg5[%arg0, %mul3A_21, %dma_start3A] : memref<2x10240x128xf32, #tpu.memory_space<hbm>> -> memref<1x640x128xf32, #tpu.memory_space<hbm>>
      %dma_start3A_23 = tpu.memref_squeeze %dma_start3A_22 : memref<1x640x128xf32, #tpu.memory_space<hbm>> -> memref<640x128xf32, #tpu.memory_space<hbm>>
      %dma_start3A_24 = arith.constant 0 : i32
      %dma_start3A_25 = tpu.memref_slice %arg9[%mul3A_19, %dma_start3A_24] : memref<10240x128xf32, #tpu.memory_space<vmem_shared>> -> memref<640x128xf32, #tpu.memory_space<vmem_shared>>
      tpu.enqueue_dma source(%dma_start3A_25 : memref<640x128xf32, #tpu.memory_space<vmem_shared>>) target(%dma_start3A_23 : memref<640x128xf32, #tpu.memory_space<hbm>>) target_semaphore(%run_scoped3A : memref<!tpu.dma_semaphore, #tpu.memory_space<semaphore_mem>>)
      %dma_wait3A = arith.constant 0 : i32
      %dma_wait3A_26 = tpu.memref_slice %arg5[%arg0, %mul3A_21, %dma_wait3A] : memref<2x10240x128xf32, #tpu.memory_space<hbm>> -> memref<1x640x128xf32, #tpu.memory_space<hbm>>
      %dma_wait3A_27 = tpu.memref_squeeze %dma_wait3A_26 : memref<1x640x128xf32, #tpu.memory_space<hbm>> -> memref<640x128xf32, #tpu.memory_space<hbm>>
      %dma_wait3A_28 = arith.constant 0 : i32
      %dma_wait3A_29 = tpu.memref_slice %arg9[%mul3A_19, %dma_wait3A_28] : memref<10240x128xf32, #tpu.memory_space<vmem_shared>> -> memref<640x128xf32, #tpu.memory_space<vmem_shared>>
      tpu.wait_dma2 semaphore(%run_scoped3A : memref<!tpu.dma_semaphore, #tpu.memory_space<semaphore_mem>>) src(%dma_wait3A_29 : memref<640x128xf32, #tpu.memory_space<vmem_shared>>) dst(%dma_wait3A_27 : memref<640x128xf32, #tpu.memory_space<hbm>>)
      tpu.yield
    }) : () -> ()
    return
  }
}

#map = affine_map<(d0, d1) -> (0, 0)>
#map1 = affine_map<(d0, d1) -> (0, 0, 0)>
module attributes {stable_mosaic.version = 14 : i64} {
  func.func @sc_edge_pass(%arg0: i32, %arg1: i32, %arg2: memref<10000x128xf32, #tpu.memory_space<hbm>>, %arg3: memref<32x125x80xi32, #tpu.memory_space<hbm>>, %arg4: memref<32x125x80xi32, #tpu.memory_space<hbm>>, %arg5: memref<2x10240x128xf32, #tpu.memory_space<hbm>>, %arg6: memref<125x80xi32, #tpu.memory_space<vmem>>, %arg7: memref<125x80xi32, #tpu.memory_space<vmem>>, %arg8: memref<80x128xf32, #tpu.memory_space<vmem>>, %arg9: memref<10240x128xf32, #tpu.memory_space<vmem_shared>>, %arg10: memref<!tpu.dma_semaphore, #tpu.memory_space<semaphore_mem>>) attributes {dimension_semantics = [#tpu.dimension_semantics<core_parallel>, #tpu.dimension_semantics<subcore_parallel>], iteration_bounds = array<i64: 2, 16>, scalar_prefetch = 0 : i64, scratch_operands = 5 : i64, tpu.core_type = #tpu.core_type<sc_vector_subcore>, window_params = [{transform_indices = #map}, {transform_indices = #map1}, {transform_indices = #map1}, {transform_indices = #map1}]} {
    %mul3A = arith.constant 16 : i32
    %mul3A_0 = arith.muli %arg0, %mul3A : i32
    %add3A = arith.addi %mul3A_0, %arg1 : i32
    "tpu.region"() ({
      %run_scoped3A = tpu.sem_alloc : memref<!tpu.dma_semaphore, #tpu.memory_space<semaphore_mem>>
      %dma_start3A = arith.constant 0 : i32
      %dma_start3A_22 = arith.constant 0 : i32
      %dma_start3A_23 = tpu.memref_slice %arg3[%add3A, %dma_start3A, %dma_start3A_22] : memref<32x125x80xi32, #tpu.memory_space<hbm>> -> memref<1x125x80xi32, #tpu.memory_space<hbm>>
      %dma_start3A_24 = tpu.memref_squeeze %dma_start3A_23 : memref<1x125x80xi32, #tpu.memory_space<hbm>> -> memref<125x80xi32, #tpu.memory_space<hbm>>
      %dma_start3A_25 = arith.constant 0 : i32
      %dma_start3A_26 = arith.constant 0 : i32
      %dma_start3A_27 = tpu.memref_slice %arg3[%add3A, %dma_start3A_25, %dma_start3A_26] : memref<32x125x80xi32, #tpu.memory_space<hbm>> -> memref<1x125x80xi32, #tpu.memory_space<hbm>>
      %dma_start3A_28 = tpu.memref_squeeze %dma_start3A_27 : memref<1x125x80xi32, #tpu.memory_space<hbm>> -> memref<125x80xi32, #tpu.memory_space<hbm>>
      tpu.enqueue_dma source(%dma_start3A_28 : memref<125x80xi32, #tpu.memory_space<hbm>>) target(%arg6 : memref<125x80xi32, #tpu.memory_space<vmem>>) target_semaphore(%run_scoped3A : memref<!tpu.dma_semaphore, #tpu.memory_space<semaphore_mem>>)
      %dma_wait3A = arith.constant 0 : i32
      %dma_wait3A_29 = arith.constant 0 : i32
      %dma_wait3A_30 = tpu.memref_slice %arg3[%add3A, %dma_wait3A, %dma_wait3A_29] : memref<32x125x80xi32, #tpu.memory_space<hbm>> -> memref<1x125x80xi32, #tpu.memory_space<hbm>>
      %dma_wait3A_31 = tpu.memref_squeeze %dma_wait3A_30 : memref<1x125x80xi32, #tpu.memory_space<hbm>> -> memref<125x80xi32, #tpu.memory_space<hbm>>
      %dma_wait3A_32 = arith.constant 0 : i32
      %dma_wait3A_33 = arith.constant 0 : i32
      %dma_wait3A_34 = tpu.memref_slice %arg3[%add3A, %dma_wait3A_32, %dma_wait3A_33] : memref<32x125x80xi32, #tpu.memory_space<hbm>> -> memref<1x125x80xi32, #tpu.memory_space<hbm>>
      %dma_wait3A_35 = tpu.memref_squeeze %dma_wait3A_34 : memref<1x125x80xi32, #tpu.memory_space<hbm>> -> memref<125x80xi32, #tpu.memory_space<hbm>>
      tpu.wait_dma2 semaphore(%run_scoped3A : memref<!tpu.dma_semaphore, #tpu.memory_space<semaphore_mem>>) src(%dma_wait3A_35 : memref<125x80xi32, #tpu.memory_space<hbm>>) dst(%arg6 : memref<125x80xi32, #tpu.memory_space<vmem>>)
      tpu.yield
    }) : () -> ()
    "tpu.region"() ({
      %run_scoped3A = tpu.sem_alloc : memref<!tpu.dma_semaphore, #tpu.memory_space<semaphore_mem>>
      %dma_start3A = arith.constant 0 : i32
      %dma_start3A_22 = arith.constant 0 : i32
      %dma_start3A_23 = tpu.memref_slice %arg4[%add3A, %dma_start3A, %dma_start3A_22] : memref<32x125x80xi32, #tpu.memory_space<hbm>> -> memref<1x125x80xi32, #tpu.memory_space<hbm>>
      %dma_start3A_24 = tpu.memref_squeeze %dma_start3A_23 : memref<1x125x80xi32, #tpu.memory_space<hbm>> -> memref<125x80xi32, #tpu.memory_space<hbm>>
      %dma_start3A_25 = arith.constant 0 : i32
      %dma_start3A_26 = arith.constant 0 : i32
      %dma_start3A_27 = tpu.memref_slice %arg4[%add3A, %dma_start3A_25, %dma_start3A_26] : memref<32x125x80xi32, #tpu.memory_space<hbm>> -> memref<1x125x80xi32, #tpu.memory_space<hbm>>
      %dma_start3A_28 = tpu.memref_squeeze %dma_start3A_27 : memref<1x125x80xi32, #tpu.memory_space<hbm>> -> memref<125x80xi32, #tpu.memory_space<hbm>>
      tpu.enqueue_dma source(%dma_start3A_28 : memref<125x80xi32, #tpu.memory_space<hbm>>) target(%arg7 : memref<125x80xi32, #tpu.memory_space<vmem>>) target_semaphore(%run_scoped3A : memref<!tpu.dma_semaphore, #tpu.memory_space<semaphore_mem>>)
      %dma_wait3A = arith.constant 0 : i32
      %dma_wait3A_29 = arith.constant 0 : i32
      %dma_wait3A_30 = tpu.memref_slice %arg4[%add3A, %dma_wait3A, %dma_wait3A_29] : memref<32x125x80xi32, #tpu.memory_space<hbm>> -> memref<1x125x80xi32, #tpu.memory_space<hbm>>
      %dma_wait3A_31 = tpu.memref_squeeze %dma_wait3A_30 : memref<1x125x80xi32, #tpu.memory_space<hbm>> -> memref<125x80xi32, #tpu.memory_space<hbm>>
      %dma_wait3A_32 = arith.constant 0 : i32
      %dma_wait3A_33 = arith.constant 0 : i32
      %dma_wait3A_34 = tpu.memref_slice %arg4[%add3A, %dma_wait3A_32, %dma_wait3A_33] : memref<32x125x80xi32, #tpu.memory_space<hbm>> -> memref<1x125x80xi32, #tpu.memory_space<hbm>>
      %dma_wait3A_35 = tpu.memref_squeeze %dma_wait3A_34 : memref<1x125x80xi32, #tpu.memory_space<hbm>> -> memref<125x80xi32, #tpu.memory_space<hbm>>
      tpu.wait_dma2 semaphore(%run_scoped3A : memref<!tpu.dma_semaphore, #tpu.memory_space<semaphore_mem>>) src(%dma_wait3A_35 : memref<125x80xi32, #tpu.memory_space<hbm>>) dst(%arg7 : memref<125x80xi32, #tpu.memory_space<vmem>>)
      tpu.yield
    }) : () -> ()
    %scan3A = arith.constant 0 : i32
    %scan3A_1 = arith.constant 640 : i32
    %scan3A_2 = arith.addi %scan3A, %scan3A_1 : i32
    %scan3A_3 = arith.constant 1 : i32
    scf.for %scan3A_22 = %scan3A to %scan3A_2 step %scan3A_3  : i32 {
      %jit3A = arith.constant 8 : i32
      %div3A = arith.divsi %scan3A_22, %jit3A : i32
      %sign3A = arith.constant 0 : i32
      %sign3A_23 = arith.cmpi sgt, %scan3A_22, %sign3A : i32
      %sign3A_24 = arith.extui %sign3A_23 : i1 to i32
      %sign3A_25 = arith.constant 0 : i32
      %sign3A_26 = arith.cmpi slt, %scan3A_22, %sign3A_25 : i32
      %sign3A_27 = arith.extui %sign3A_26 : i1 to i32
      %sign3A_28 = arith.subi %sign3A_24, %sign3A_27 : i32
      %sign3A_29 = arith.constant 0 : i32
      %sign3A_30 = arith.cmpi sgt, %jit3A, %sign3A_29 : i32
      %sign3A_31 = arith.extui %sign3A_30 : i1 to i32
      %sign3A_32 = arith.constant 0 : i32
      %sign3A_33 = arith.cmpi slt, %jit3A, %sign3A_32 : i32
      %sign3A_34 = arith.extui %sign3A_33 : i1 to i32
      %sign3A_35 = arith.subi %sign3A_31, %sign3A_34 : i32
      %ne3A = arith.cmpi ne, %sign3A_28, %sign3A_35 : i32
      %rem3A = arith.remsi %scan3A_22, %jit3A : i32
      %ne3A_36 = arith.constant 0 : i32
      %ne3A_37 = arith.cmpi ne, %rem3A, %ne3A_36 : i32
      %and3A = arith.andi %ne3A, %ne3A_37 : i1
      %sub3A = arith.constant 1 : i32
      %sub3A_38 = arith.subi %div3A, %sub3A : i32
      %select_n3A = arith.select %and3A, %sub3A_38, %div3A : i32
      %jit3A_39 = arith.constant 8 : i32
      %eq3A = arith.constant 0 : i32
      %eq3A_40 = arith.cmpi eq, %jit3A_39, %eq3A : i32
      %jit3A_41 = arith.constant 1 : i32
      %select_n3A_42 = arith.select %eq3A_40, %jit3A_41, %jit3A_39 : i32
      %rem3A_43 = arith.remsi %scan3A_22, %select_n3A_42 : i32
      %ne3A_44 = arith.constant 0 : i32
      %ne3A_45 = arith.cmpi ne, %rem3A_43, %ne3A_44 : i32
      %lt3A = arith.constant 0 : i32
      %lt3A_46 = arith.cmpi slt, %rem3A_43, %lt3A : i32
      %lt3A_47 = arith.constant 0 : i32
      %lt3A_48 = arith.cmpi slt, %select_n3A_42, %lt3A_47 : i32
      %ne3A_49 = arith.xori %lt3A_46, %lt3A_48 : i1
      %and3A_50 = arith.andi %ne3A_49, %ne3A_45 : i1
      %add3A_51 = arith.addi %rem3A_43, %select_n3A_42 : i32
      %select_n3A_52 = arith.select %and3A_50, %add3A_51, %rem3A_43 : i32
      %mul3A_53 = arith.constant 16 : i32
      %mul3A_54 = arith.muli %select_n3A_52, %mul3A_53 : i32
      %broadcast_in_dim3A = arith.constant 0.000000e+00 : f32
      %broadcast_in_dim3A_55 = vector.broadcast %broadcast_in_dim3A : f32 to vector<16xf32>
      %swap3A = arith.index_cast %select_n3A : i32 to index
      %swap3A_56 = arith.index_cast %mul3A_54 : i32 to index
      %swap3A_57 = tpu.vector_load %arg8[%swap3A, %swap3A_56] {strides = array<i32>} : memref<80x128xf32, #tpu.memory_space<vmem>>, vector<1x16xf32>,
      %swap3A_58 = vector.shape_cast %swap3A_57 : vector<1x16xf32> to vector<16xf32>
      %swap3A_59 = vector.shape_cast %broadcast_in_dim3A_55 : vector<16xf32> to vector<1x16xf32>
      tpu.vector_store %arg8[%swap3A, %swap3A_56], %swap3A_59 {strides = array<i32>} : memref<80x128xf32, #tpu.memory_space<vmem>>, vector<1x16xf32>,
    }
    %scan3A_4 = arith.constant 640 : i32
    %mul3A_5 = arith.constant 640 : i32
    %mul3A_6 = arith.muli %arg1, %mul3A_5 : i32
    %scan3A_7 = arith.constant 0 : i32
    %scan3A_8 = arith.constant 8 : i32
    %scan3A_9 = arith.addi %scan3A_7, %scan3A_8 : i32
    %scan3A_10 = arith.constant 1 : i32
    scf.for %scan3A_22 = %scan3A_7 to %scan3A_9 step %scan3A_10  : i32 {
      %mul3A_23 = arith.constant 80 : i32
      %mul3A_24 = arith.muli %scan3A_22, %mul3A_23 : i32
      %add3A_25 = arith.addi %mul3A_6, %mul3A_24 : i32
      "tpu.region"() ({
        %run_scoped3A = tpu.sem_alloc : memref<!tpu.dma_semaphore, #tpu.memory_space<semaphore_mem>>
        %dma_start3A = arith.constant 0 : i32
        %dma_start3A_26 = tpu.memref_slice %arg9[%add3A_25, %dma_start3A] : memref<10240x128xf32, #tpu.memory_space<vmem_shared>> -> memref<80x128xf32, #tpu.memory_space<vmem_shared>>
        %dma_start3A_27 = arith.constant 0 : i32
        %dma_start3A_28 = tpu.memref_slice %arg9[%add3A_25, %dma_start3A_27] : memref<10240x128xf32, #tpu.memory_space<vmem_shared>> -> memref<80x128xf32, #tpu.memory_space<vmem_shared>>
        tpu.enqueue_dma source(%arg8 : memref<80x128xf32, #tpu.memory_space<vmem>>) target(%dma_start3A_28 : memref<80x128xf32, #tpu.memory_space<vmem_shared>>) target_semaphore(%run_scoped3A : memref<!tpu.dma_semaphore, #tpu.memory_space<semaphore_mem>>)
        %dma_wait3A = arith.constant 0 : i32
        %dma_wait3A_29 = tpu.memref_slice %arg9[%add3A_25, %dma_wait3A] : memref<10240x128xf32, #tpu.memory_space<vmem_shared>> -> memref<80x128xf32, #tpu.memory_space<vmem_shared>>
        %dma_wait3A_30 = arith.constant 0 : i32
        %dma_wait3A_31 = tpu.memref_slice %arg9[%add3A_25, %dma_wait3A_30] : memref<10240x128xf32, #tpu.memory_space<vmem_shared>> -> memref<80x128xf32, #tpu.memory_space<vmem_shared>>
        tpu.wait_dma2 semaphore(%run_scoped3A : memref<!tpu.dma_semaphore, #tpu.memory_space<semaphore_mem>>) src(%arg8 : memref<80x128xf32, #tpu.memory_space<vmem>>) dst(%dma_wait3A_31 : memref<80x128xf32, #tpu.memory_space<vmem_shared>>)
        tpu.yield
      }) : () -> ()
    }
    %scan3A_11 = arith.constant 8 : i32
    %barrier3A = arith.constant 0 : index
    tpu.barrier barrier_id(%barrier3A)
    %scan3A_12 = arith.constant 0 : i32
    %scan3A_13 = arith.constant 125 : i32
    %scan3A_14 = arith.addi %scan3A_12, %scan3A_13 : i32
    %scan3A_15 = arith.constant 1 : i32
    scf.for %scan3A_22 = %scan3A_12 to %scan3A_14 step %scan3A_15  : i32 {
      %dma_start3A = arith.constant 0 : i32
      %dma_start3A_23 = tpu.memref_slice %arg6[%scan3A_22, %dma_start3A] : memref<125x80xi32, #tpu.memory_space<vmem>> -> memref<1x80xi32, #tpu.memory_space<vmem>>
      %dma_start3A_24 = tpu.memref_squeeze %dma_start3A_23 : memref<1x80xi32, #tpu.memory_space<vmem>> -> memref<80xi32, #tpu.memory_space<vmem>>
      %dma_start3A_25 = arith.constant 0 : i32
      %dma_start3A_26 = arith.constant 0 : i32
      %dma_start3A_27 = tpu.memref_slice %arg2[%dma_start3A_25, %dma_start3A_26] : memref<10000x128xf32, #tpu.memory_space<hbm>> -> memref<10000x128xf32, #tpu.memory_space<hbm>>
      tpu.enqueue_indirect_dma source(%dma_start3A_27 : memref<10000x128xf32, #tpu.memory_space<hbm>>) target(%arg8 : memref<80x128xf32, #tpu.memory_space<vmem>>) offsets(%dma_start3A_24 : memref<80xi32, #tpu.memory_space<vmem>>) semaphore(%arg10 : memref<!tpu.dma_semaphore, #tpu.memory_space<semaphore_mem>>)
      %dma_wait3A = arith.constant 0 : i32
      %dma_wait3A_28 = tpu.memref_slice %arg6[%scan3A_22, %dma_wait3A] : memref<125x80xi32, #tpu.memory_space<vmem>> -> memref<1x80xi32, #tpu.memory_space<vmem>>
      %dma_wait3A_29 = tpu.memref_squeeze %dma_wait3A_28 : memref<1x80xi32, #tpu.memory_space<vmem>> -> memref<80xi32, #tpu.memory_space<vmem>>
      %dma_wait3A_30 = arith.constant 0 : i32
      %dma_wait3A_31 = arith.constant 0 : i32
      %dma_wait3A_32 = tpu.memref_slice %arg2[%dma_wait3A_30, %dma_wait3A_31] : memref<10000x128xf32, #tpu.memory_space<hbm>> -> memref<10000x128xf32, #tpu.memory_space<hbm>>
      tpu.wait_indirect_dma semaphore(%arg10 : memref<!tpu.dma_semaphore, #tpu.memory_space<semaphore_mem>>) src(%dma_wait3A_32 : memref<10000x128xf32, #tpu.memory_space<hbm>>) dst(%arg8 : memref<80x128xf32, #tpu.memory_space<vmem>>)
      "tpu.region"() ({
        %run_scoped3A = tpu.sem_alloc : memref<!tpu.dma_semaphore, #tpu.memory_space<semaphore_mem>>
        %dma_start3A_33 = arith.constant 0 : i32
        %dma_start3A_34 = tpu.memref_slice %arg7[%scan3A_22, %dma_start3A_33] : memref<125x80xi32, #tpu.memory_space<vmem>> -> memref<1x80xi32, #tpu.memory_space<vmem>>
        %dma_start3A_35 = tpu.memref_squeeze %dma_start3A_34 : memref<1x80xi32, #tpu.memory_space<vmem>> -> memref<80xi32, #tpu.memory_space<vmem>>
        %dma_start3A_36 = arith.constant 0 : i32
        %dma_start3A_37 = arith.constant 0 : i32
        %dma_start3A_38 = tpu.memref_slice %arg9[%dma_start3A_36, %dma_start3A_37] : memref<10240x128xf32, #tpu.memory_space<vmem_shared>> -> memref<10240x128xf32, #tpu.memory_space<vmem_shared>>
        tpu.enqueue_indirect_dma source(%arg8 : memref<80x128xf32, #tpu.memory_space<vmem>>) target(%dma_start3A_38 : memref<10240x128xf32, #tpu.memory_space<vmem_shared>>) offsets(%dma_start3A_35 : memref<80xi32, #tpu.memory_space<vmem>>) semaphore(%run_scoped3A : memref<!tpu.dma_semaphore, #tpu.memory_space<semaphore_mem>>) {add = true}
        %dma_wait3A_39 = arith.constant 0 : i32
        %dma_wait3A_40 = tpu.memref_slice %arg7[%scan3A_22, %dma_wait3A_39] : memref<125x80xi32, #tpu.memory_space<vmem>> -> memref<1x80xi32, #tpu.memory_space<vmem>>
        %dma_wait3A_41 = tpu.memref_squeeze %dma_wait3A_40 : memref<1x80xi32, #tpu.memory_space<vmem>> -> memref<80xi32, #tpu.memory_space<vmem>>
        %dma_wait3A_42 = arith.constant 0 : i32
        %dma_wait3A_43 = arith.constant 0 : i32
        %dma_wait3A_44 = tpu.memref_slice %arg9[%dma_wait3A_42, %dma_wait3A_43] : memref<10240x128xf32, #tpu.memory_space<vmem_shared>> -> memref<10240x128xf32, #tpu.memory_space<vmem_shared>>
        tpu.wait_indirect_dma semaphore(%run_scoped3A : memref<!tpu.dma_semaphore, #tpu.memory_space<semaphore_mem>>) src(%arg8 : memref<80x128xf32, #tpu.memory_space<vmem>>) dst(%dma_wait3A_44 : memref<10240x128xf32, #tpu.memory_space<vmem_shared>>)
        tpu.yield
      }) : () -> ()
    }
    %scan3A_16 = arith.constant 125 : i32
    %barrier3A_17 = arith.constant 0 : index
    tpu.barrier barrier_id(%barrier3A_17)
    %mul3A_18 = arith.constant 640 : i32
    %mul3A_19 = arith.muli %arg1, %mul3A_18 : i32
    %mul3A_20 = arith.constant 640 : i32
    %mul3A_21 = arith.muli %arg1, %mul3A_20 : i32
    "tpu.region"() ({
      %run_scoped3A = tpu.sem_alloc : memref<!tpu.dma_semaphore, #tpu.memory_space<semaphore_mem>>
      %dma_start3A = arith.constant 0 : i32
      %dma_start3A_22 = tpu.memref_slice %arg5[%arg0, %mul3A_21, %dma_start3A] : memref<2x10240x128xf32, #tpu.memory_space<hbm>> -> memref<1x640x128xf32, #tpu.memory_space<hbm>>
      %dma_start3A_23 = tpu.memref_squeeze %dma_start3A_22 : memref<1x640x128xf32, #tpu.memory_space<hbm>> -> memref<640x128xf32, #tpu.memory_space<hbm>>
      %dma_start3A_24 = arith.constant 0 : i32
      %dma_start3A_25 = tpu.memref_slice %arg9[%mul3A_19, %dma_start3A_24] : memref<10240x128xf32, #tpu.memory_space<vmem_shared>> -> memref<640x128xf32, #tpu.memory_space<vmem_shared>>
      tpu.enqueue_dma source(%dma_start3A_25 : memref<640x128xf32, #tpu.memory_space<vmem_shared>>) target(%dma_start3A_23 : memref<640x128xf32, #tpu.memory_space<hbm>>) target_semaphore(%run_scoped3A : memref<!tpu.dma_semaphore, #tpu.memory_space<semaphore_mem>>)
      %dma_wait3A = arith.constant 0 : i32
      %dma_wait3A_26 = tpu.memref_slice %arg5[%arg0, %mul3A_21, %dma_wait3A] : memref<2x10240x128xf32, #tpu.memory_space<hbm>> -> memref<1x640x128xf32, #tpu.memory_space<hbm>>
      %dma_wait3A_27 = tpu.memref_squeeze %dma_wait3A_26 : memref<1x640x128xf32, #tpu.memory_space<hbm>> -> memref<640x128xf32, #tpu.memory_space<hbm>>
      %dma_wait3A_28 = arith.constant 0 : i32
      %dma_wait3A_29 = tpu.memref_slice %arg9[%mul3A_19, %dma_wait3A_28] : memref<10240x128xf32, #tpu.memory_space<vmem_shared>> -> memref<640x128xf32, #tpu.memory_space<vmem_shared>>
      tpu.wait_dma2 semaphore(%run_scoped3A : memref<!tpu.dma_semaphore, #tpu.memory_space<semaphore_mem>>) src(%dma_wait3A_29 : memref<640x128xf32, #tpu.memory_space<vmem_shared>>) dst(%dma_wait3A_27 : memref<640x128xf32, #tpu.memory_space<hbm>>)
      tpu.yield
    }) : () -> ()
    return
  }
}

#map = affine_map<(d0, d1) -> (0, 0)>
#map1 = affine_map<(d0, d1) -> (0, 0, 0)>
module attributes {stable_mosaic.version = 14 : i64} {
  func.func @sc_edge_pass(%arg0: i32, %arg1: i32, %arg2: memref<10000x128xf32, #tpu.memory_space<hbm>>, %arg3: memref<32x125x80xi32, #tpu.memory_space<hbm>>, %arg4: memref<32x125x80xi32, #tpu.memory_space<hbm>>, %arg5: memref<2x10240x128xf32, #tpu.memory_space<hbm>>, %arg6: memref<125x80xi32, #tpu.memory_space<vmem>>, %arg7: memref<125x80xi32, #tpu.memory_space<vmem>>, %arg8: memref<80x128xf32, #tpu.memory_space<vmem>>, %arg9: memref<10240x128xf32, #tpu.memory_space<vmem_shared>>, %arg10: memref<!tpu.dma_semaphore, #tpu.memory_space<semaphore_mem>>) attributes {dimension_semantics = [#tpu.dimension_semantics<core_parallel>, #tpu.dimension_semantics<subcore_parallel>], iteration_bounds = array<i64: 2, 16>, scalar_prefetch = 0 : i64, scratch_operands = 5 : i64, tpu.core_type = #tpu.core_type<sc_vector_subcore>, window_params = [{transform_indices = #map}, {transform_indices = #map1}, {transform_indices = #map1}, {transform_indices = #map1}]} {
    %mul3A = arith.constant 16 : i32
    %mul3A_0 = arith.muli %arg0, %mul3A : i32
    %add3A = arith.addi %mul3A_0, %arg1 : i32
    "tpu.region"() ({
      %run_scoped3A = tpu.sem_alloc : memref<!tpu.dma_semaphore, #tpu.memory_space<semaphore_mem>>
      %dma_start3A = arith.constant 0 : i32
      %dma_start3A_22 = arith.constant 0 : i32
      %dma_start3A_23 = tpu.memref_slice %arg3[%add3A, %dma_start3A, %dma_start3A_22] : memref<32x125x80xi32, #tpu.memory_space<hbm>> -> memref<1x125x80xi32, #tpu.memory_space<hbm>>
      %dma_start3A_24 = tpu.memref_squeeze %dma_start3A_23 : memref<1x125x80xi32, #tpu.memory_space<hbm>> -> memref<125x80xi32, #tpu.memory_space<hbm>>
      %dma_start3A_25 = arith.constant 0 : i32
      %dma_start3A_26 = arith.constant 0 : i32
      %dma_start3A_27 = tpu.memref_slice %arg3[%add3A, %dma_start3A_25, %dma_start3A_26] : memref<32x125x80xi32, #tpu.memory_space<hbm>> -> memref<1x125x80xi32, #tpu.memory_space<hbm>>
      %dma_start3A_28 = tpu.memref_squeeze %dma_start3A_27 : memref<1x125x80xi32, #tpu.memory_space<hbm>> -> memref<125x80xi32, #tpu.memory_space<hbm>>
      tpu.enqueue_dma source(%dma_start3A_28 : memref<125x80xi32, #tpu.memory_space<hbm>>) target(%arg6 : memref<125x80xi32, #tpu.memory_space<vmem>>) target_semaphore(%run_scoped3A : memref<!tpu.dma_semaphore, #tpu.memory_space<semaphore_mem>>)
      %dma_wait3A = arith.constant 0 : i32
      %dma_wait3A_29 = arith.constant 0 : i32
      %dma_wait3A_30 = tpu.memref_slice %arg3[%add3A, %dma_wait3A, %dma_wait3A_29] : memref<32x125x80xi32, #tpu.memory_space<hbm>> -> memref<1x125x80xi32, #tpu.memory_space<hbm>>
      %dma_wait3A_31 = tpu.memref_squeeze %dma_wait3A_30 : memref<1x125x80xi32, #tpu.memory_space<hbm>> -> memref<125x80xi32, #tpu.memory_space<hbm>>
      %dma_wait3A_32 = arith.constant 0 : i32
      %dma_wait3A_33 = arith.constant 0 : i32
      %dma_wait3A_34 = tpu.memref_slice %arg3[%add3A, %dma_wait3A_32, %dma_wait3A_33] : memref<32x125x80xi32, #tpu.memory_space<hbm>> -> memref<1x125x80xi32, #tpu.memory_space<hbm>>
      %dma_wait3A_35 = tpu.memref_squeeze %dma_wait3A_34 : memref<1x125x80xi32, #tpu.memory_space<hbm>> -> memref<125x80xi32, #tpu.memory_space<hbm>>
      tpu.wait_dma2 semaphore(%run_scoped3A : memref<!tpu.dma_semaphore, #tpu.memory_space<semaphore_mem>>) src(%dma_wait3A_35 : memref<125x80xi32, #tpu.memory_space<hbm>>) dst(%arg6 : memref<125x80xi32, #tpu.memory_space<vmem>>)
      tpu.yield
    }) : () -> ()
    "tpu.region"() ({
      %run_scoped3A = tpu.sem_alloc : memref<!tpu.dma_semaphore, #tpu.memory_space<semaphore_mem>>
      %dma_start3A = arith.constant 0 : i32
      %dma_start3A_22 = arith.constant 0 : i32
      %dma_start3A_23 = tpu.memref_slice %arg4[%add3A, %dma_start3A, %dma_start3A_22] : memref<32x125x80xi32, #tpu.memory_space<hbm>> -> memref<1x125x80xi32, #tpu.memory_space<hbm>>
      %dma_start3A_24 = tpu.memref_squeeze %dma_start3A_23 : memref<1x125x80xi32, #tpu.memory_space<hbm>> -> memref<125x80xi32, #tpu.memory_space<hbm>>
      %dma_start3A_25 = arith.constant 0 : i32
      %dma_start3A_26 = arith.constant 0 : i32
      %dma_start3A_27 = tpu.memref_slice %arg4[%add3A, %dma_start3A_25, %dma_start3A_26] : memref<32x125x80xi32, #tpu.memory_space<hbm>> -> memref<1x125x80xi32, #tpu.memory_space<hbm>>
      %dma_start3A_28 = tpu.memref_squeeze %dma_start3A_27 : memref<1x125x80xi32, #tpu.memory_space<hbm>> -> memref<125x80xi32, #tpu.memory_space<hbm>>
      tpu.enqueue_dma source(%dma_start3A_28 : memref<125x80xi32, #tpu.memory_space<hbm>>) target(%arg7 : memref<125x80xi32, #tpu.memory_space<vmem>>) target_semaphore(%run_scoped3A : memref<!tpu.dma_semaphore, #tpu.memory_space<semaphore_mem>>)
      %dma_wait3A = arith.constant 0 : i32
      %dma_wait3A_29 = arith.constant 0 : i32
      %dma_wait3A_30 = tpu.memref_slice %arg4[%add3A, %dma_wait3A, %dma_wait3A_29] : memref<32x125x80xi32, #tpu.memory_space<hbm>> -> memref<1x125x80xi32, #tpu.memory_space<hbm>>
      %dma_wait3A_31 = tpu.memref_squeeze %dma_wait3A_30 : memref<1x125x80xi32, #tpu.memory_space<hbm>> -> memref<125x80xi32, #tpu.memory_space<hbm>>
      %dma_wait3A_32 = arith.constant 0 : i32
      %dma_wait3A_33 = arith.constant 0 : i32
      %dma_wait3A_34 = tpu.memref_slice %arg4[%add3A, %dma_wait3A_32, %dma_wait3A_33] : memref<32x125x80xi32, #tpu.memory_space<hbm>> -> memref<1x125x80xi32, #tpu.memory_space<hbm>>
      %dma_wait3A_35 = tpu.memref_squeeze %dma_wait3A_34 : memref<1x125x80xi32, #tpu.memory_space<hbm>> -> memref<125x80xi32, #tpu.memory_space<hbm>>
      tpu.wait_dma2 semaphore(%run_scoped3A : memref<!tpu.dma_semaphore, #tpu.memory_space<semaphore_mem>>) src(%dma_wait3A_35 : memref<125x80xi32, #tpu.memory_space<hbm>>) dst(%arg7 : memref<125x80xi32, #tpu.memory_space<vmem>>)
      tpu.yield
    }) : () -> ()
    %scan3A = arith.constant 0 : i32
    %scan3A_1 = arith.constant 640 : i32
    %scan3A_2 = arith.addi %scan3A, %scan3A_1 : i32
    %scan3A_3 = arith.constant 1 : i32
    scf.for %scan3A_22 = %scan3A to %scan3A_2 step %scan3A_3  : i32 {
      %jit3A = arith.constant 8 : i32
      %div3A = arith.divsi %scan3A_22, %jit3A : i32
      %sign3A = arith.constant 0 : i32
      %sign3A_23 = arith.cmpi sgt, %scan3A_22, %sign3A : i32
      %sign3A_24 = arith.extui %sign3A_23 : i1 to i32
      %sign3A_25 = arith.constant 0 : i32
      %sign3A_26 = arith.cmpi slt, %scan3A_22, %sign3A_25 : i32
      %sign3A_27 = arith.extui %sign3A_26 : i1 to i32
      %sign3A_28 = arith.subi %sign3A_24, %sign3A_27 : i32
      %sign3A_29 = arith.constant 0 : i32
      %sign3A_30 = arith.cmpi sgt, %jit3A, %sign3A_29 : i32
      %sign3A_31 = arith.extui %sign3A_30 : i1 to i32
      %sign3A_32 = arith.constant 0 : i32
      %sign3A_33 = arith.cmpi slt, %jit3A, %sign3A_32 : i32
      %sign3A_34 = arith.extui %sign3A_33 : i1 to i32
      %sign3A_35 = arith.subi %sign3A_31, %sign3A_34 : i32
      %ne3A = arith.cmpi ne, %sign3A_28, %sign3A_35 : i32
      %rem3A = arith.remsi %scan3A_22, %jit3A : i32
      %ne3A_36 = arith.constant 0 : i32
      %ne3A_37 = arith.cmpi ne, %rem3A, %ne3A_36 : i32
      %and3A = arith.andi %ne3A, %ne3A_37 : i1
      %sub3A = arith.constant 1 : i32
      %sub3A_38 = arith.subi %div3A, %sub3A : i32
      %select_n3A = arith.select %and3A, %sub3A_38, %div3A : i32
      %jit3A_39 = arith.constant 8 : i32
      %eq3A = arith.constant 0 : i32
      %eq3A_40 = arith.cmpi eq, %jit3A_39, %eq3A : i32
      %jit3A_41 = arith.constant 1 : i32
      %select_n3A_42 = arith.select %eq3A_40, %jit3A_41, %jit3A_39 : i32
      %rem3A_43 = arith.remsi %scan3A_22, %select_n3A_42 : i32
      %ne3A_44 = arith.constant 0 : i32
      %ne3A_45 = arith.cmpi ne, %rem3A_43, %ne3A_44 : i32
      %lt3A = arith.constant 0 : i32
      %lt3A_46 = arith.cmpi slt, %rem3A_43, %lt3A : i32
      %lt3A_47 = arith.constant 0 : i32
      %lt3A_48 = arith.cmpi slt, %select_n3A_42, %lt3A_47 : i32
      %ne3A_49 = arith.xori %lt3A_46, %lt3A_48 : i1
      %and3A_50 = arith.andi %ne3A_49, %ne3A_45 : i1
      %add3A_51 = arith.addi %rem3A_43, %select_n3A_42 : i32
      %select_n3A_52 = arith.select %and3A_50, %add3A_51, %rem3A_43 : i32
      %mul3A_53 = arith.constant 16 : i32
      %mul3A_54 = arith.muli %select_n3A_52, %mul3A_53 : i32
      %broadcast_in_dim3A = arith.constant 0.000000e+00 : f32
      %broadcast_in_dim3A_55 = vector.broadcast %broadcast_in_dim3A : f32 to vector<16xf32>
      %swap3A = arith.index_cast %select_n3A : i32 to index
      %swap3A_56 = arith.index_cast %mul3A_54 : i32 to index
      %swap3A_57 = tpu.vector_load %arg8[%swap3A, %swap3A_56] {strides = array<i32>} : memref<80x128xf32, #tpu.memory_space<vmem>>, vector<1x16xf32>,
      %swap3A_58 = vector.shape_cast %swap3A_57 : vector<1x16xf32> to vector<16xf32>
      %swap3A_59 = vector.shape_cast %broadcast_in_dim3A_55 : vector<16xf32> to vector<1x16xf32>
      tpu.vector_store %arg8[%swap3A, %swap3A_56], %swap3A_59 {strides = array<i32>} : memref<80x128xf32, #tpu.memory_space<vmem>>, vector<1x16xf32>,
    }
    %scan3A_4 = arith.constant 640 : i32
    %mul3A_5 = arith.constant 640 : i32
    %mul3A_6 = arith.muli %arg1, %mul3A_5 : i32
    %scan3A_7 = arith.constant 0 : i32
    %scan3A_8 = arith.constant 8 : i32
    %scan3A_9 = arith.addi %scan3A_7, %scan3A_8 : i32
    %scan3A_10 = arith.constant 1 : i32
    scf.for %scan3A_22 = %scan3A_7 to %scan3A_9 step %scan3A_10  : i32 {
      %mul3A_23 = arith.constant 80 : i32
      %mul3A_24 = arith.muli %scan3A_22, %mul3A_23 : i32
      %add3A_25 = arith.addi %mul3A_6, %mul3A_24 : i32
      "tpu.region"() ({
        %run_scoped3A = tpu.sem_alloc : memref<!tpu.dma_semaphore, #tpu.memory_space<semaphore_mem>>
        %dma_start3A = arith.constant 0 : i32
        %dma_start3A_26 = tpu.memref_slice %arg9[%add3A_25, %dma_start3A] : memref<10240x128xf32, #tpu.memory_space<vmem_shared>> -> memref<80x128xf32, #tpu.memory_space<vmem_shared>>
        %dma_start3A_27 = arith.constant 0 : i32
        %dma_start3A_28 = tpu.memref_slice %arg9[%add3A_25, %dma_start3A_27] : memref<10240x128xf32, #tpu.memory_space<vmem_shared>> -> memref<80x128xf32, #tpu.memory_space<vmem_shared>>
        tpu.enqueue_dma source(%arg8 : memref<80x128xf32, #tpu.memory_space<vmem>>) target(%dma_start3A_28 : memref<80x128xf32, #tpu.memory_space<vmem_shared>>) target_semaphore(%run_scoped3A : memref<!tpu.dma_semaphore, #tpu.memory_space<semaphore_mem>>)
        %dma_wait3A = arith.constant 0 : i32
        %dma_wait3A_29 = tpu.memref_slice %arg9[%add3A_25, %dma_wait3A] : memref<10240x128xf32, #tpu.memory_space<vmem_shared>> -> memref<80x128xf32, #tpu.memory_space<vmem_shared>>
        %dma_wait3A_30 = arith.constant 0 : i32
        %dma_wait3A_31 = tpu.memref_slice %arg9[%add3A_25, %dma_wait3A_30] : memref<10240x128xf32, #tpu.memory_space<vmem_shared>> -> memref<80x128xf32, #tpu.memory_space<vmem_shared>>
        tpu.wait_dma2 semaphore(%run_scoped3A : memref<!tpu.dma_semaphore, #tpu.memory_space<semaphore_mem>>) src(%arg8 : memref<80x128xf32, #tpu.memory_space<vmem>>) dst(%dma_wait3A_31 : memref<80x128xf32, #tpu.memory_space<vmem_shared>>)
        tpu.yield
      }) : () -> ()
    }
    %scan3A_11 = arith.constant 8 : i32
    %barrier3A = arith.constant 0 : index
    tpu.barrier barrier_id(%barrier3A)
    %scan3A_12 = arith.constant 0 : i32
    %scan3A_13 = arith.constant 125 : i32
    %scan3A_14 = arith.addi %scan3A_12, %scan3A_13 : i32
    %scan3A_15 = arith.constant 1 : i32
    scf.for %scan3A_22 = %scan3A_12 to %scan3A_14 step %scan3A_15  : i32 {
      %dma_start3A = arith.constant 0 : i32
      %dma_start3A_23 = tpu.memref_slice %arg6[%scan3A_22, %dma_start3A] : memref<125x80xi32, #tpu.memory_space<vmem>> -> memref<1x80xi32, #tpu.memory_space<vmem>>
      %dma_start3A_24 = tpu.memref_squeeze %dma_start3A_23 : memref<1x80xi32, #tpu.memory_space<vmem>> -> memref<80xi32, #tpu.memory_space<vmem>>
      %dma_start3A_25 = arith.constant 0 : i32
      %dma_start3A_26 = arith.constant 0 : i32
      %dma_start3A_27 = tpu.memref_slice %arg2[%dma_start3A_25, %dma_start3A_26] : memref<10000x128xf32, #tpu.memory_space<hbm>> -> memref<10000x128xf32, #tpu.memory_space<hbm>>
      tpu.enqueue_indirect_dma source(%dma_start3A_27 : memref<10000x128xf32, #tpu.memory_space<hbm>>) target(%arg8 : memref<80x128xf32, #tpu.memory_space<vmem>>) offsets(%dma_start3A_24 : memref<80xi32, #tpu.memory_space<vmem>>) semaphore(%arg10 : memref<!tpu.dma_semaphore, #tpu.memory_space<semaphore_mem>>)
      %dma_wait3A = arith.constant 0 : i32
      %dma_wait3A_28 = tpu.memref_slice %arg6[%scan3A_22, %dma_wait3A] : memref<125x80xi32, #tpu.memory_space<vmem>> -> memref<1x80xi32, #tpu.memory_space<vmem>>
      %dma_wait3A_29 = tpu.memref_squeeze %dma_wait3A_28 : memref<1x80xi32, #tpu.memory_space<vmem>> -> memref<80xi32, #tpu.memory_space<vmem>>
      %dma_wait3A_30 = arith.constant 0 : i32
      %dma_wait3A_31 = arith.constant 0 : i32
      %dma_wait3A_32 = tpu.memref_slice %arg2[%dma_wait3A_30, %dma_wait3A_31] : memref<10000x128xf32, #tpu.memory_space<hbm>> -> memref<10000x128xf32, #tpu.memory_space<hbm>>
      tpu.wait_indirect_dma semaphore(%arg10 : memref<!tpu.dma_semaphore, #tpu.memory_space<semaphore_mem>>) src(%dma_wait3A_32 : memref<10000x128xf32, #tpu.memory_space<hbm>>) dst(%arg8 : memref<80x128xf32, #tpu.memory_space<vmem>>)
      "tpu.region"() ({
        %run_scoped3A = tpu.sem_alloc : memref<!tpu.dma_semaphore, #tpu.memory_space<semaphore_mem>>
        %dma_start3A_33 = arith.constant 0 : i32
        %dma_start3A_34 = tpu.memref_slice %arg7[%scan3A_22, %dma_start3A_33] : memref<125x80xi32, #tpu.memory_space<vmem>> -> memref<1x80xi32, #tpu.memory_space<vmem>>
        %dma_start3A_35 = tpu.memref_squeeze %dma_start3A_34 : memref<1x80xi32, #tpu.memory_space<vmem>> -> memref<80xi32, #tpu.memory_space<vmem>>
        %dma_start3A_36 = arith.constant 0 : i32
        %dma_start3A_37 = arith.constant 0 : i32
        %dma_start3A_38 = tpu.memref_slice %arg9[%dma_start3A_36, %dma_start3A_37] : memref<10240x128xf32, #tpu.memory_space<vmem_shared>> -> memref<10240x128xf32, #tpu.memory_space<vmem_shared>>
        tpu.enqueue_indirect_dma source(%arg8 : memref<80x128xf32, #tpu.memory_space<vmem>>) target(%dma_start3A_38 : memref<10240x128xf32, #tpu.memory_space<vmem_shared>>) offsets(%dma_start3A_35 : memref<80xi32, #tpu.memory_space<vmem>>) semaphore(%run_scoped3A : memref<!tpu.dma_semaphore, #tpu.memory_space<semaphore_mem>>) {add = true}
        %dma_wait3A_39 = arith.constant 0 : i32
        %dma_wait3A_40 = tpu.memref_slice %arg7[%scan3A_22, %dma_wait3A_39] : memref<125x80xi32, #tpu.memory_space<vmem>> -> memref<1x80xi32, #tpu.memory_space<vmem>>
        %dma_wait3A_41 = tpu.memref_squeeze %dma_wait3A_40 : memref<1x80xi32, #tpu.memory_space<vmem>> -> memref<80xi32, #tpu.memory_space<vmem>>
        %dma_wait3A_42 = arith.constant 0 : i32
        %dma_wait3A_43 = arith.constant 0 : i32
        %dma_wait3A_44 = tpu.memref_slice %arg9[%dma_wait3A_42, %dma_wait3A_43] : memref<10240x128xf32, #tpu.memory_space<vmem_shared>> -> memref<10240x128xf32, #tpu.memory_space<vmem_shared>>
        tpu.wait_indirect_dma semaphore(%run_scoped3A : memref<!tpu.dma_semaphore, #tpu.memory_space<semaphore_mem>>) src(%arg8 : memref<80x128xf32, #tpu.memory_space<vmem>>) dst(%dma_wait3A_44 : memref<10240x128xf32, #tpu.memory_space<vmem_shared>>)
        tpu.yield
      }) : () -> ()
    }
    %scan3A_16 = arith.constant 125 : i32
    %barrier3A_17 = arith.constant 0 : index
    tpu.barrier barrier_id(%barrier3A_17)
    %mul3A_18 = arith.constant 640 : i32
    %mul3A_19 = arith.muli %arg1, %mul3A_18 : i32
    %mul3A_20 = arith.constant 640 : i32
    %mul3A_21 = arith.muli %arg1, %mul3A_20 : i32
    "tpu.region"() ({
      %run_scoped3A = tpu.sem_alloc : memref<!tpu.dma_semaphore, #tpu.memory_space<semaphore_mem>>
      %dma_start3A = arith.constant 0 : i32
      %dma_start3A_22 = tpu.memref_slice %arg5[%arg0, %mul3A_21, %dma_start3A] : memref<2x10240x128xf32, #tpu.memory_space<hbm>> -> memref<1x640x128xf32, #tpu.memory_space<hbm>>
      %dma_start3A_23 = tpu.memref_squeeze %dma_start3A_22 : memref<1x640x128xf32, #tpu.memory_space<hbm>> -> memref<640x128xf32, #tpu.memory_space<hbm>>
      %dma_start3A_24 = arith.constant 0 : i32
      %dma_start3A_25 = tpu.memref_slice %arg9[%mul3A_19, %dma_start3A_24] : memref<10240x128xf32, #tpu.memory_space<vmem_shared>> -> memref<640x128xf32, #tpu.memory_space<vmem_shared>>
      tpu.enqueue_dma source(%dma_start3A_25 : memref<640x128xf32, #tpu.memory_space<vmem_shared>>) target(%dma_start3A_23 : memref<640x128xf32, #tpu.memory_space<hbm>>) target_semaphore(%run_scoped3A : memref<!tpu.dma_semaphore, #tpu.memory_space<semaphore_mem>>)
      %dma_wait3A = arith.constant 0 : i32
      %dma_wait3A_26 = tpu.memref_slice %arg5[%arg0, %mul3A_21, %dma_wait3A] : memref<2x10240x128xf32, #tpu.memory_space<hbm>> -> memref<1x640x128xf32, #tpu.memory_space<hbm>>
      %dma_wait3A_27 = tpu.memref_squeeze %dma_wait3A_26 : memref<1x640x128xf32, #tpu.memory_space<hbm>> -> memref<640x128xf32, #tpu.memory_space<hbm>>
      %dma_wait3A_28 = arith.constant 0 : i32
      %dma_wait3A_29 = tpu.memref_slice %arg9[%mul3A_19, %dma_wait3A_28] : memref<10240x128xf32, #tpu.memory_space<vmem_shared>> -> memref<640x128xf32, #tpu.memory_space<vmem_shared>>
      tpu.wait_dma2 semaphore(%run_scoped3A : memref<!tpu.dma_semaphore, #tpu.memory_space<semaphore_mem>>) src(%dma_wait3A_29 : memref<640x128xf32, #tpu.memory_space<vmem_shared>>) dst(%dma_wait3A_27 : memref<640x128xf32, #tpu.memory_space<hbm>>)
      tpu.yield
    }) : () -> ()
    return
  }
}

module attributes {stable_mosaic.version = 14 : i64} {
  func.func @body(%arg0: i32, %arg1: memref<2x1000x128xf32, #tpu.memory_space<vmem>>, %arg2: memref<1000x128xf32, #tpu.memory_space<vmem>>, %arg3: memref<2x1000x128xf32, #tpu.memory_space<vmem>>, %arg4: memref<128x128xf32, #tpu.memory_space<vmem>>, %arg5: memref<1x128xf32, #tpu.memory_space<vmem>>, %arg6: memref<1x128xf32, #tpu.memory_space<vmem>>, %arg7: memref<1x128xf32, #tpu.memory_space<vmem>>, %arg8: memref<1000x128xf32, #tpu.memory_space<vmem>>, %arg9: memref<1000x128xf32, #tpu.memory_space<vmem>>) attributes {dimension_semantics = [#tpu.dimension_semantics<arbitrary>], iteration_bounds = array<i64: 10>, scalar_prefetch = 0 : i64, scratch_operands = 0 : i64, tpu.core_type = #tpu.core_type<tc>, window_params = [{transform_indices = @transform_0, window_bounds = array<i64: 2, 1000, 128>}, {transform_indices = @transform_1, window_bounds = array<i64: 1000, 128>}, {transform_indices = @transform_2, window_bounds = array<i64: 2, 1000, 128>}, {pipeline_mode = #tpu.pipeline_mode<synchronous>, transform_indices = @transform_3, window_bounds = array<i64: 128, 128>}, {pipeline_mode = #tpu.pipeline_mode<synchronous>, transform_indices = @transform_4, window_bounds = array<i64: 1, 128>}, {pipeline_mode = #tpu.pipeline_mode<synchronous>, transform_indices = @transform_5, window_bounds = array<i64: 1, 128>}, {pipeline_mode = #tpu.pipeline_mode<synchronous>, transform_indices = @transform_6, window_bounds = array<i64: 1, 128>}, {transform_indices = @transform_7, window_bounds = array<i64: 1000, 128>}, {transform_indices = @transform_8, window_bounds = array<i64: 1000, 128>}]} {
    %get3A = arith.constant 0 : index
    %get3A_0 = arith.constant 0 : index
    %get3A_1 = arith.constant 0 : index
    %get3A_2 = vector.load %arg3[%get3A, %get3A_0, %get3A_1] : memref<2x1000x128xf32, #tpu.memory_space<vmem>>, vector<1x1000x1xf32>
    %get3A_3 = vector.shape_cast %get3A_2 : vector<1x1000x1xf32> to vector<1000xf32>
    %get3A_4 = arith.constant 1 : index
    %get3A_5 = arith.constant 0 : index
    %get3A_6 = arith.constant 0 : index
    %get3A_7 = vector.load %arg3[%get3A_4, %get3A_5, %get3A_6] : memref<2x1000x128xf32, #tpu.memory_space<vmem>>, vector<1x1000x1xf32>
    %get3A_8 = vector.shape_cast %get3A_7 : vector<1x1000x1xf32> to vector<1000xf32>
    %add3A = arith.addf %get3A_3, %get3A_8 : vector<1000xf32>
    %add3A_9 = arith.constant 1.000000e+00 : f32
    %add3A_10 = vector.broadcast %add3A_9 : f32 to vector<1000xf32>
    %add3A_11 = arith.addf %add3A, %add3A_10 : vector<1000xf32>
    %rsqrt3A = math.rsqrt %add3A_11 : vector<1000xf32>
    %broadcast_in_dim3A = vector.shape_cast %rsqrt3A : vector<1000xf32> to vector<1000x1xf32>
    %get3A_12 = arith.constant 0 : index
    %get3A_13 = arith.constant 0 : index
    %get3A_14 = arith.constant 0 : index
    %get3A_15 = vector.load %arg1[%get3A_12, %get3A_13, %get3A_14] : memref<2x1000x128xf32, #tpu.memory_space<vmem>>, vector<1x1000x128xf32>
    %get3A_16 = vector.shape_cast %get3A_15 : vector<1x1000x128xf32> to vector<1000x128xf32>
    %get3A_17 = arith.constant 1 : index
    %get3A_18 = arith.constant 0 : index
    %get3A_19 = arith.constant 0 : index
    %get3A_20 = vector.load %arg1[%get3A_17, %get3A_18, %get3A_19] : memref<2x1000x128xf32, #tpu.memory_space<vmem>>, vector<1x1000x128xf32>
    %get3A_21 = vector.shape_cast %get3A_20 : vector<1x1000x128xf32> to vector<1000x128xf32>
    %add3A_22 = arith.addf %get3A_16, %get3A_21 : vector<1000x128xf32>
    %get3A_23 = arith.constant 0 : index
    %get3A_24 = arith.constant 0 : index
    %get3A_25 = vector.load %arg2[%get3A_23, %get3A_24] : memref<1000x128xf32, #tpu.memory_space<vmem>>, vector<1000x128xf32>
    %add3A_26 = arith.addf %add3A_22, %get3A_25 : vector<1000x128xf32>
    %mul3A = vector.broadcast %broadcast_in_dim3A : vector<1000x1xf32> to vector<1000x128xf32>
    %mul3A_27 = arith.mulf %mul3A, %add3A_26 : vector<1000x128xf32>
    %get3A_28 = arith.constant 0 : index
    %get3A_29 = arith.constant 0 : index
    %get3A_30 = vector.load %arg7[%get3A_28, %get3A_29] : memref<1x128xf32, #tpu.memory_space<vmem>>, vector<1x128xf32>
    %add3A_31 = vector.broadcast %get3A_30 : vector<1x128xf32> to vector<1000x128xf32>
    %add3A_32 = arith.addf %mul3A_27, %add3A_31 : vector<1000x128xf32>
    %get3A_33 = arith.constant 0 : index
    %get3A_34 = arith.constant 0 : index
    %get3A_35 = vector.load %arg5[%get3A_33, %get3A_34] : memref<1x128xf32, #tpu.memory_space<vmem>>, vector<1x128xf32>
    %mul3A_36 = arith.constant 0.999994993 : f32
    %mul3A_37 = vector.broadcast %mul3A_36 : f32 to vector<1x128xf32>
    %mul3A_38 = arith.mulf %get3A_35, %mul3A_37 : vector<1x128xf32>
    %mul3A_39 = vector.broadcast %mul3A_38 : vector<1x128xf32> to vector<1000x128xf32>
    %mul3A_40 = arith.mulf %add3A_32, %mul3A_39 : vector<1000x128xf32>
    %get3A_41 = arith.constant 0 : index
    %get3A_42 = arith.constant 0 : index
    %get3A_43 = vector.load %arg6[%get3A_41, %get3A_42] : memref<1x128xf32, #tpu.memory_space<vmem>>, vector<1x128xf32>
    %add3A_44 = vector.broadcast %get3A_43 : vector<1x128xf32> to vector<1000x128xf32>
    %add3A_45 = arith.addf %mul3A_40, %add3A_44 : vector<1000x128xf32>
    %get3A_46 = arith.constant 0 : index
    %get3A_47 = arith.constant 0 : index
    %get3A_48 = vector.load %arg8[%get3A_46, %get3A_47] : memref<1000x128xf32, #tpu.memory_space<vmem>>, vector<1000x128xf32>
    %add3A_49 = arith.addf %add3A_45, %get3A_48 : vector<1000x128xf32>
    %max3A = arith.constant 0.000000e+00 : f32
    %max3A_50 = vector.broadcast %max3A : f32 to vector<1000x128xf32>
    %max3A_51 = arith.maximumf %add3A_49, %max3A_50 : vector<1000x128xf32>
    %get3A_52 = arith.constant 0 : index
    %get3A_53 = arith.constant 0 : index
    %get3A_54 = vector.load %arg4[%get3A_52, %get3A_53] : memref<128x128xf32, #tpu.memory_space<vmem>>, vector<128x128xf32>
    %dot_general3A = arith.constant dense<0.000000e+00> : vector<1000x128xf32>
    %dot_general3A_55 = tpu.matmul %max3A_51, %get3A_54, %dot_general3A {dimension_numbers = #tpu.dot_dimension_numbers<[1], [0], [0], [1], [0, 0, 1, 1], [], []>, transpose_lhs_hint = false} : vector<1000x128xf32>, vector<128x128xf32>, vector<1000x128xf32> -> vector<1000x128xf32>
    %mul3A_56 = vector.broadcast %broadcast_in_dim3A : vector<1000x1xf32> to vector<1000x128xf32>
    %mul3A_57 = arith.mulf %mul3A_56, %dot_general3A_55 : vector<1000x128xf32>
    %swap3A = arith.constant 0 : index
    %swap3A_58 = arith.constant 0 : index
    %swap3A_59 = vector.load %arg9[%swap3A, %swap3A_58] : memref<1000x128xf32, #tpu.memory_space<vmem>>, vector<1000x128xf32>
    tpu.vector_store %arg9[%swap3A, %swap3A_58], %mul3A_57 {strides = array<i32>} : memref<1000x128xf32, #tpu.memory_space<vmem>>, vector<1000x128xf32>,
    return
  }
  func.func @transform_0(%arg0: i32) -> (i32, i32, i32) {
    %c0_i32 = arith.constant 0 : i32
    %c0_i32_0 = arith.constant 0 : i32
    %c0_i32_1 = arith.constant 0 : i32
    return %c0_i32, %arg0, %c0_i32_0 : i32, i32, i32
  }
  func.func @transform_1(%arg0: i32) -> (i32, i32) {
    %c0_i32 = arith.constant 0 : i32
    %c0_i32_0 = arith.constant 0 : i32
    return %arg0, %c0_i32 : i32, i32
  }
  func.func @transform_2(%arg0: i32) -> (i32, i32, i32) {
    %c0_i32 = arith.constant 0 : i32
    %c0_i32_0 = arith.constant 0 : i32
    %c0_i32_1 = arith.constant 0 : i32
    return %c0_i32, %arg0, %c0_i32_0 : i32, i32, i32
  }
  func.func @transform_3(%arg0: i32) -> (i32, i32) {
    %c0_i32 = arith.constant 0 : i32
    %c0_i32_0 = arith.constant 0 : i32
    %c0_i32_1 = arith.constant 0 : i32
    return %c0_i32, %c0_i32_0 : i32, i32
  }
  func.func @transform_4(%arg0: i32) -> (i32, i32) {
    %c0_i32 = arith.constant 0 : i32
    %c0_i32_0 = arith.constant 0 : i32
    %c0_i32_1 = arith.constant 0 : i32
    return %c0_i32, %c0_i32_0 : i32, i32
  }
  func.func @transform_5(%arg0: i32) -> (i32, i32) {
    %c0_i32 = arith.constant 0 : i32
    %c0_i32_0 = arith.constant 0 : i32
    %c0_i32_1 = arith.constant 0 : i32
    return %c0_i32, %c0_i32_0 : i32, i32
  }
  func.func @transform_6(%arg0: i32) -> (i32, i32) {
    %c0_i32 = arith.constant 0 : i32
    %c0_i32_0 = arith.constant 0 : i32
    %c0_i32_1 = arith.constant 0 : i32
    return %c0_i32, %c0_i32_0 : i32, i32
  }
  func.func @transform_7(%arg0: i32) -> (i32, i32) {
    %c0_i32 = arith.constant 0 : i32
    %c0_i32_0 = arith.constant 0 : i32
    return %arg0, %c0_i32 : i32, i32
  }
  func.func @transform_8(%arg0: i32) -> (i32, i32) {
    %c0_i32 = arith.constant 0 : i32
    %c0_i32_0 = arith.constant 0 : i32
    return %arg0, %c0_i32 : i32, i32
  }
}

module attributes {stable_mosaic.version = 14 : i64} {
  func.func @body(%arg0: i32, %arg1: memref<1000x128xf32, #tpu.memory_space<vmem>>, %arg2: memref<128x128xf32, #tpu.memory_space<vmem>>, %arg3: memref<2x1000x128xf32, #tpu.memory_space<vmem>>, %arg4: memref<1000x128xf32, #tpu.memory_space<vmem>>) attributes {dimension_semantics = [#tpu.dimension_semantics<arbitrary>], iteration_bounds = array<i64: 10>, scalar_prefetch = 0 : i64, scratch_operands = 0 : i64, tpu.core_type = #tpu.core_type<tc>, window_params = [{transform_indices = @transform_0, window_bounds = array<i64: 1000, 128>}, {pipeline_mode = #tpu.pipeline_mode<synchronous>, transform_indices = @transform_1, window_bounds = array<i64: 128, 128>}, {transform_indices = @transform_2, window_bounds = array<i64: 2, 1000, 128>}, {transform_indices = @transform_3, window_bounds = array<i64: 1000, 128>}]} {
    %get3A = arith.constant 0 : index
    %get3A_0 = arith.constant 0 : index
    %get3A_1 = arith.constant 0 : index
    %get3A_2 = vector.load %arg3[%get3A, %get3A_0, %get3A_1] : memref<2x1000x128xf32, #tpu.memory_space<vmem>>, vector<1x1000x1xf32>
    %get3A_3 = vector.shape_cast %get3A_2 : vector<1x1000x1xf32> to vector<1000xf32>
    %get3A_4 = arith.constant 1 : index
    %get3A_5 = arith.constant 0 : index
    %get3A_6 = arith.constant 0 : index
    %get3A_7 = vector.load %arg3[%get3A_4, %get3A_5, %get3A_6] : memref<2x1000x128xf32, #tpu.memory_space<vmem>>, vector<1x1000x1xf32>
    %get3A_8 = vector.shape_cast %get3A_7 : vector<1x1000x1xf32> to vector<1000xf32>
    %add3A = arith.addf %get3A_3, %get3A_8 : vector<1000xf32>
    %add3A_9 = arith.constant 1.000000e+00 : f32
    %add3A_10 = vector.broadcast %add3A_9 : f32 to vector<1000xf32>
    %add3A_11 = arith.addf %add3A, %add3A_10 : vector<1000xf32>
    %rsqrt3A = math.rsqrt %add3A_11 : vector<1000xf32>
    %broadcast_in_dim3A = vector.shape_cast %rsqrt3A : vector<1000xf32> to vector<1000x1xf32>
    %get3A_12 = arith.constant 0 : index
    %get3A_13 = arith.constant 0 : index
    %get3A_14 = vector.load %arg1[%get3A_12, %get3A_13] : memref<1000x128xf32, #tpu.memory_space<vmem>>, vector<1000x128xf32>
    %get3A_15 = arith.constant 0 : index
    %get3A_16 = arith.constant 0 : index
    %get3A_17 = vector.load %arg2[%get3A_15, %get3A_16] : memref<128x128xf32, #tpu.memory_space<vmem>>, vector<128x128xf32>
    %dot_general3A = arith.constant dense<0.000000e+00> : vector<1000x128xf32>
    %dot_general3A_18 = tpu.matmul %get3A_14, %get3A_17, %dot_general3A {dimension_numbers = #tpu.dot_dimension_numbers<[1], [0], [0], [1], [0, 0, 1, 1], [], []>, transpose_lhs_hint = false} : vector<1000x128xf32>, vector<128x128xf32>, vector<1000x128xf32> -> vector<1000x128xf32>
    %mul3A = vector.broadcast %broadcast_in_dim3A : vector<1000x1xf32> to vector<1000x128xf32>
    %mul3A_19 = arith.mulf %mul3A, %dot_general3A_18 : vector<1000x128xf32>
    %swap3A = arith.constant 0 : index
    %swap3A_20 = arith.constant 0 : index
    %swap3A_21 = vector.load %arg4[%swap3A, %swap3A_20] : memref<1000x128xf32, #tpu.memory_space<vmem>>, vector<1000x128xf32>
    tpu.vector_store %arg4[%swap3A, %swap3A_20], %mul3A_19 {strides = array<i32>} : memref<1000x128xf32, #tpu.memory_space<vmem>>, vector<1000x128xf32>,
    return
  }
  func.func @transform_0(%arg0: i32) -> (i32, i32) {
    %c0_i32 = arith.constant 0 : i32
    %c0_i32_0 = arith.constant 0 : i32
    return %arg0, %c0_i32 : i32, i32
  }
  func.func @transform_1(%arg0: i32) -> (i32, i32) {
    %c0_i32 = arith.constant 0 : i32
    %c0_i32_0 = arith.constant 0 : i32
    %c0_i32_1 = arith.constant 0 : i32
    return %c0_i32, %c0_i32_0 : i32, i32
  }
  func.func @transform_2(%arg0: i32) -> (i32, i32, i32) {
    %c0_i32 = arith.constant 0 : i32
    %c0_i32_0 = arith.constant 0 : i32
    %c0_i32_1 = arith.constant 0 : i32
    return %c0_i32, %arg0, %c0_i32_0 : i32, i32, i32
  }
  func.func @transform_3(%arg0: i32) -> (i32, i32) {
    %c0_i32 = arith.constant 0 : i32
    %c0_i32_0 = arith.constant 0 : i32
    return %arg0, %c0_i32 : i32, i32
  }
}

module attributes {stable_mosaic.version = 14 : i64} {
  func.func @body(%arg0: i32, %arg1: memref<2x1000x128xf32, #tpu.memory_space<vmem>>, %arg2: memref<1000x128xf32, #tpu.memory_space<vmem>>, %arg3: memref<2x1000x128xf32, #tpu.memory_space<vmem>>, %arg4: memref<1x128xf32, #tpu.memory_space<vmem>>, %arg5: memref<1000x128xf32, #tpu.memory_space<vmem>>) attributes {dimension_semantics = [#tpu.dimension_semantics<arbitrary>], iteration_bounds = array<i64: 10>, scalar_prefetch = 0 : i64, scratch_operands = 0 : i64, tpu.core_type = #tpu.core_type<tc>, window_params = [{transform_indices = @transform_0, window_bounds = array<i64: 2, 1000, 128>}, {transform_indices = @transform_1, window_bounds = array<i64: 1000, 128>}, {transform_indices = @transform_2, window_bounds = array<i64: 2, 1000, 128>}, {pipeline_mode = #tpu.pipeline_mode<synchronous>, transform_indices = @transform_3, window_bounds = array<i64: 1, 128>}, {transform_indices = @transform_4, window_bounds = array<i64: 1000, 128>}]} {
    %get3A = arith.constant 0 : index
    %get3A_0 = arith.constant 0 : index
    %get3A_1 = arith.constant 0 : index
    %get3A_2 = vector.load %arg3[%get3A, %get3A_0, %get3A_1] : memref<2x1000x128xf32, #tpu.memory_space<vmem>>, vector<1x1000x1xf32>
    %get3A_3 = vector.shape_cast %get3A_2 : vector<1x1000x1xf32> to vector<1000xf32>
    %get3A_4 = arith.constant 1 : index
    %get3A_5 = arith.constant 0 : index
    %get3A_6 = arith.constant 0 : index
    %get3A_7 = vector.load %arg3[%get3A_4, %get3A_5, %get3A_6] : memref<2x1000x128xf32, #tpu.memory_space<vmem>>, vector<1x1000x1xf32>
    %get3A_8 = vector.shape_cast %get3A_7 : vector<1x1000x1xf32> to vector<1000xf32>
    %add3A = arith.addf %get3A_3, %get3A_8 : vector<1000xf32>
    %add3A_9 = arith.constant 1.000000e+00 : f32
    %add3A_10 = vector.broadcast %add3A_9 : f32 to vector<1000xf32>
    %add3A_11 = arith.addf %add3A, %add3A_10 : vector<1000xf32>
    %rsqrt3A = math.rsqrt %add3A_11 : vector<1000xf32>
    %broadcast_in_dim3A = vector.shape_cast %rsqrt3A : vector<1000xf32> to vector<1000x1xf32>
    %get3A_12 = arith.constant 0 : index
    %get3A_13 = arith.constant 0 : index
    %get3A_14 = arith.constant 0 : index
    %get3A_15 = vector.load %arg1[%get3A_12, %get3A_13, %get3A_14] : memref<2x1000x128xf32, #tpu.memory_space<vmem>>, vector<1x1000x128xf32>
    %get3A_16 = vector.shape_cast %get3A_15 : vector<1x1000x128xf32> to vector<1000x128xf32>
    %get3A_17 = arith.constant 1 : index
    %get3A_18 = arith.constant 0 : index
    %get3A_19 = arith.constant 0 : index
    %get3A_20 = vector.load %arg1[%get3A_17, %get3A_18, %get3A_19] : memref<2x1000x128xf32, #tpu.memory_space<vmem>>, vector<1x1000x128xf32>
    %get3A_21 = vector.shape_cast %get3A_20 : vector<1x1000x128xf32> to vector<1000x128xf32>
    %add3A_22 = arith.addf %get3A_16, %get3A_21 : vector<1000x128xf32>
    %get3A_23 = arith.constant 0 : index
    %get3A_24 = arith.constant 0 : index
    %get3A_25 = vector.load %arg2[%get3A_23, %get3A_24] : memref<1000x128xf32, #tpu.memory_space<vmem>>, vector<1000x128xf32>
    %add3A_26 = arith.addf %add3A_22, %get3A_25 : vector<1000x128xf32>
    %mul3A = vector.broadcast %broadcast_in_dim3A : vector<1000x1xf32> to vector<1000x128xf32>
    %mul3A_27 = arith.mulf %mul3A, %add3A_26 : vector<1000x128xf32>
    %get3A_28 = arith.constant 0 : index
    %get3A_29 = arith.constant 0 : index
    %get3A_30 = vector.load %arg4[%get3A_28, %get3A_29] : memref<1x128xf32, #tpu.memory_space<vmem>>, vector<1x128xf32>
    %add3A_31 = vector.broadcast %get3A_30 : vector<1x128xf32> to vector<1000x128xf32>
    %add3A_32 = arith.addf %mul3A_27, %add3A_31 : vector<1000x128xf32>
    %iota3A = tpu.iota {dimensions = array<i32: 1>} : vector<1000x128xi32>
    %lt3A = arith.constant 40 : i32
    %lt3A_33 = vector.broadcast %lt3A : i32 to vector<1000x128xi32>
    %lt3A_34 = arith.cmpi slt, %iota3A, %lt3A_33 : vector<1000x128xi32>
    %jit3A = arith.constant 0xFF800000 : f32
    %broadcast_in_dim3A_35 = vector.broadcast %jit3A : f32 to vector<1000x128xf32>
    %select_n3A = arith.select %lt3A_34, %add3A_32, %broadcast_in_dim3A_35 : vector<1000x128xi1>, vector<1000x128xf32>
    %reduce_max3A = arith.constant dense<0xFF800000> : vector<1000xf32>
    %reduce_max3A_36 = vector.multi_reduction <maximumf>, %select_n3A, %reduce_max3A [1] : vector<1000x128xf32> to vector<1000xf32>
    %broadcast_in_dim3A_37 = vector.shape_cast %reduce_max3A_36 : vector<1000xf32> to vector<1000x1xf32>
    %sub3A = vector.broadcast %broadcast_in_dim3A_37 : vector<1000x1xf32> to vector<1000x128xf32>
    %sub3A_38 = arith.subf %select_n3A, %sub3A : vector<1000x128xf32>
    %exp3A = math.exp %sub3A_38 : vector<1000x128xf32>
    %reduce_sum3A = arith.constant dense<0.000000e+00> : vector<1000xf32>
    %reduce_sum3A_39 = vector.multi_reduction <add>, %exp3A, %reduce_sum3A [1] : vector<1000x128xf32> to vector<1000xf32>
    %broadcast_in_dim3A_40 = vector.shape_cast %reduce_sum3A_39 : vector<1000xf32> to vector<1000x1xf32>
    %log3A = math.log %broadcast_in_dim3A_40 : vector<1000x1xf32>
    %sub3A_41 = vector.broadcast %log3A : vector<1000x1xf32> to vector<1000x128xf32>
    %sub3A_42 = arith.subf %sub3A_38, %sub3A_41 : vector<1000x128xf32>
    %swap3A = arith.constant 0 : index
    %swap3A_43 = arith.constant 0 : index
    %swap3A_44 = vector.load %arg5[%swap3A, %swap3A_43] : memref<1000x128xf32, #tpu.memory_space<vmem>>, vector<1000x128xf32>
    tpu.vector_store %arg5[%swap3A, %swap3A_43], %sub3A_42 {strides = array<i32>} : memref<1000x128xf32, #tpu.memory_space<vmem>>, vector<1000x128xf32>,
    return
  }
  func.func @transform_0(%arg0: i32) -> (i32, i32, i32) {
    %c0_i32 = arith.constant 0 : i32
    %c0_i32_0 = arith.constant 0 : i32
    %c0_i32_1 = arith.constant 0 : i32
    return %c0_i32, %arg0, %c0_i32_0 : i32, i32, i32
  }
  func.func @transform_1(%arg0: i32) -> (i32, i32) {
    %c0_i32 = arith.constant 0 : i32
    %c0_i32_0 = arith.constant 0 : i32
    return %arg0, %c0_i32 : i32, i32
  }
  func.func @transform_2(%arg0: i32) -> (i32, i32, i32) {
    %c0_i32 = arith.constant 0 : i32
    %c0_i32_0 = arith.constant 0 : i32
    %c0_i32_1 = arith.constant 0 : i32
    return %c0_i32, %arg0, %c0_i32_0 : i32, i32, i32
  }
  func.func @transform_3(%arg0: i32) -> (i32, i32) {
    %c0_i32 = arith.constant 0 : i32
    %c0_i32_0 = arith.constant 0 : i32
    %c0_i32_1 = arith.constant 0 : i32
    return %c0_i32, %c0_i32_0 : i32, i32
  }
  func.func @transform_4(%arg0: i32) -> (i32, i32) {
    %c0_i32 = arith.constant 0 : i32
    %c0_i32_0 = arith.constant 0 : i32
    return %arg0, %c0_i32 : i32, i32
  }
}

module attributes {stable_mosaic.version = 14 : i64} {
  func.func @body(%arg0: i32, %arg1: memref<2x1000x128xf32, #tpu.memory_space<vmem>>, %arg2: memref<1000x128xf32, #tpu.memory_space<vmem>>, %arg3: memref<2x1000x128xf32, #tpu.memory_space<vmem>>, %arg4: memref<128x128xf32, #tpu.memory_space<vmem>>, %arg5: memref<1x128xf32, #tpu.memory_space<vmem>>, %arg6: memref<1x128xf32, #tpu.memory_space<vmem>>, %arg7: memref<1x128xf32, #tpu.memory_space<vmem>>, %arg8: memref<1000x128xf32, #tpu.memory_space<vmem>>) attributes {dimension_semantics = [#tpu.dimension_semantics<arbitrary>], iteration_bounds = array<i64: 10>, scalar_prefetch = 0 : i64, scratch_operands = 0 : i64, tpu.core_type = #tpu.core_type<tc>, window_params = [{transform_indices = @transform_0, window_bounds = array<i64: 2, 1000, 128>}, {transform_indices = @transform_1, window_bounds = array<i64: 1000, 128>}, {transform_indices = @transform_2, window_bounds = array<i64: 2, 1000, 128>}, {pipeline_mode = #tpu.pipeline_mode<synchronous>, transform_indices = @transform_3, window_bounds = array<i64: 128, 128>}, {pipeline_mode = #tpu.pipeline_mode<synchronous>, transform_indices = @transform_4, window_bounds = array<i64: 1, 128>}, {pipeline_mode = #tpu.pipeline_mode<synchronous>, transform_indices = @transform_5, window_bounds = array<i64: 1, 128>}, {pipeline_mode = #tpu.pipeline_mode<synchronous>, transform_indices = @transform_6, window_bounds = array<i64: 1, 128>}, {transform_indices = @transform_7, window_bounds = array<i64: 1000, 128>}]} {
    %get3A = arith.constant 0 : index
    %get3A_0 = arith.constant 0 : index
    %get3A_1 = arith.constant 0 : index
    %get3A_2 = vector.load %arg3[%get3A, %get3A_0, %get3A_1] : memref<2x1000x128xf32, #tpu.memory_space<vmem>>, vector<1x1000x1xf32>
    %get3A_3 = vector.shape_cast %get3A_2 : vector<1x1000x1xf32> to vector<1000xf32>
    %get3A_4 = arith.constant 1 : index
    %get3A_5 = arith.constant 0 : index
    %get3A_6 = arith.constant 0 : index
    %get3A_7 = vector.load %arg3[%get3A_4, %get3A_5, %get3A_6] : memref<2x1000x128xf32, #tpu.memory_space<vmem>>, vector<1x1000x1xf32>
    %get3A_8 = vector.shape_cast %get3A_7 : vector<1x1000x1xf32> to vector<1000xf32>
    %add3A = arith.addf %get3A_3, %get3A_8 : vector<1000xf32>
    %add3A_9 = arith.constant 1.000000e+00 : f32
    %add3A_10 = vector.broadcast %add3A_9 : f32 to vector<1000xf32>
    %add3A_11 = arith.addf %add3A, %add3A_10 : vector<1000xf32>
    %rsqrt3A = math.rsqrt %add3A_11 : vector<1000xf32>
    %broadcast_in_dim3A = vector.shape_cast %rsqrt3A : vector<1000xf32> to vector<1000x1xf32>
    %get3A_12 = arith.constant 0 : index
    %get3A_13 = arith.constant 0 : index
    %get3A_14 = arith.constant 0 : index
    %get3A_15 = vector.load %arg1[%get3A_12, %get3A_13, %get3A_14] : memref<2x1000x128xf32, #tpu.memory_space<vmem>>, vector<1x1000x128xf32>
    %get3A_16 = vector.shape_cast %get3A_15 : vector<1x1000x128xf32> to vector<1000x128xf32>
    %get3A_17 = arith.constant 1 : index
    %get3A_18 = arith.constant 0 : index
    %get3A_19 = arith.constant 0 : index
    %get3A_20 = vector.load %arg1[%get3A_17, %get3A_18, %get3A_19] : memref<2x1000x128xf32, #tpu.memory_space<vmem>>, vector<1x1000x128xf32>
    %get3A_21 = vector.shape_cast %get3A_20 : vector<1x1000x128xf32> to vector<1000x128xf32>
    %add3A_22 = arith.addf %get3A_16, %get3A_21 : vector<1000x128xf32>
    %get3A_23 = arith.constant 0 : index
    %get3A_24 = arith.constant 0 : index
    %get3A_25 = vector.load %arg2[%get3A_23, %get3A_24] : memref<1000x128xf32, #tpu.memory_space<vmem>>, vector<1000x128xf32>
    %add3A_26 = arith.addf %add3A_22, %get3A_25 : vector<1000x128xf32>
    %mul3A = vector.broadcast %broadcast_in_dim3A : vector<1000x1xf32> to vector<1000x128xf32>
    %mul3A_27 = arith.mulf %mul3A, %add3A_26 : vector<1000x128xf32>
    %get3A_28 = arith.constant 0 : index
    %get3A_29 = arith.constant 0 : index
    %get3A_30 = vector.load %arg7[%get3A_28, %get3A_29] : memref<1x128xf32, #tpu.memory_space<vmem>>, vector<1x128xf32>
    %add3A_31 = vector.broadcast %get3A_30 : vector<1x128xf32> to vector<1000x128xf32>
    %add3A_32 = arith.addf %mul3A_27, %add3A_31 : vector<1000x128xf32>
    %get3A_33 = arith.constant 0 : index
    %get3A_34 = arith.constant 0 : index
    %get3A_35 = vector.load %arg5[%get3A_33, %get3A_34] : memref<1x128xf32, #tpu.memory_space<vmem>>, vector<1x128xf32>
    %mul3A_36 = arith.constant 0.999994993 : f32
    %mul3A_37 = vector.broadcast %mul3A_36 : f32 to vector<1x128xf32>
    %mul3A_38 = arith.mulf %get3A_35, %mul3A_37 : vector<1x128xf32>
    %mul3A_39 = vector.broadcast %mul3A_38 : vector<1x128xf32> to vector<1000x128xf32>
    %mul3A_40 = arith.mulf %add3A_32, %mul3A_39 : vector<1000x128xf32>
    %get3A_41 = arith.constant 0 : index
    %get3A_42 = arith.constant 0 : index
    %get3A_43 = vector.load %arg6[%get3A_41, %get3A_42] : memref<1x128xf32, #tpu.memory_space<vmem>>, vector<1x128xf32>
    %add3A_44 = vector.broadcast %get3A_43 : vector<1x128xf32> to vector<1000x128xf32>
    %add3A_45 = arith.addf %mul3A_40, %add3A_44 : vector<1000x128xf32>
    %max3A = arith.constant 0.000000e+00 : f32
    %max3A_46 = vector.broadcast %max3A : f32 to vector<1000x128xf32>
    %max3A_47 = arith.maximumf %add3A_45, %max3A_46 : vector<1000x128xf32>
    %get3A_48 = arith.constant 0 : index
    %get3A_49 = arith.constant 0 : index
    %get3A_50 = vector.load %arg4[%get3A_48, %get3A_49] : memref<128x128xf32, #tpu.memory_space<vmem>>, vector<128x128xf32>
    %dot_general3A = arith.constant dense<0.000000e+00> : vector<1000x128xf32>
    %dot_general3A_51 = tpu.matmul %max3A_47, %get3A_50, %dot_general3A {dimension_numbers = #tpu.dot_dimension_numbers<[1], [0], [0], [1], [0, 0, 1, 1], [], []>, transpose_lhs_hint = false} : vector<1000x128xf32>, vector<128x128xf32>, vector<1000x128xf32> -> vector<1000x128xf32>
    %mul3A_52 = vector.broadcast %broadcast_in_dim3A : vector<1000x1xf32> to vector<1000x128xf32>
    %mul3A_53 = arith.mulf %mul3A_52, %dot_general3A_51 : vector<1000x128xf32>
    %swap3A = arith.constant 0 : index
    %swap3A_54 = arith.constant 0 : index
    %swap3A_55 = vector.load %arg8[%swap3A, %swap3A_54] : memref<1000x128xf32, #tpu.memory_space<vmem>>, vector<1000x128xf32>
    tpu.vector_store %arg8[%swap3A, %swap3A_54], %mul3A_53 {strides = array<i32>} : memref<1000x128xf32, #tpu.memory_space<vmem>>, vector<1000x128xf32>,
    return
  }
  func.func @transform_0(%arg0: i32) -> (i32, i32, i32) {
    %c0_i32 = arith.constant 0 : i32
    %c0_i32_0 = arith.constant 0 : i32
    %c0_i32_1 = arith.constant 0 : i32
    return %c0_i32, %arg0, %c0_i32_0 : i32, i32, i32
  }
  func.func @transform_1(%arg0: i32) -> (i32, i32) {
    %c0_i32 = arith.constant 0 : i32
    %c0_i32_0 = arith.constant 0 : i32
    return %arg0, %c0_i32 : i32, i32
  }
  func.func @transform_2(%arg0: i32) -> (i32, i32, i32) {
    %c0_i32 = arith.constant 0 : i32
    %c0_i32_0 = arith.constant 0 : i32
    %c0_i32_1 = arith.constant 0 : i32
    return %c0_i32, %arg0, %c0_i32_0 : i32, i32, i32
  }
  func.func @transform_3(%arg0: i32) -> (i32, i32) {
    %c0_i32 = arith.constant 0 : i32
    %c0_i32_0 = arith.constant 0 : i32
    %c0_i32_1 = arith.constant 0 : i32
    return %c0_i32, %c0_i32_0 : i32, i32
  }
  func.func @transform_4(%arg0: i32) -> (i32, i32) {
    %c0_i32 = arith.constant 0 : i32
    %c0_i32_0 = arith.constant 0 : i32
    %c0_i32_1 = arith.constant 0 : i32
    return %c0_i32, %c0_i32_0 : i32, i32
  }
  func.func @transform_5(%arg0: i32) -> (i32, i32) {
    %c0_i32 = arith.constant 0 : i32
    %c0_i32_0 = arith.constant 0 : i32
    %c0_i32_1 = arith.constant 0 : i32
    return %c0_i32, %c0_i32_0 : i32, i32
  }
  func.func @transform_6(%arg0: i32) -> (i32, i32) {
    %c0_i32 = arith.constant 0 : i32
    %c0_i32_0 = arith.constant 0 : i32
    %c0_i32_1 = arith.constant 0 : i32
    return %c0_i32, %c0_i32_0 : i32, i32
  }
  func.func @transform_7(%arg0: i32) -> (i32, i32) {
    %c0_i32 = arith.constant 0 : i32
    %c0_i32_0 = arith.constant 0 : i32
    return %arg0, %c0_i32 : i32, i32
  }
}

</mosaic_0001>

<sc_bundles>
// kernel: kernel.10.cloned.1.call-start
scs
__scs_entry_jumppad:
0x0: {  	(pc) =	sbr.rel $0x88, $3  }
0x1: {  	(tag) =	ssettag $0x0;
	lr =	simm.s32 $0x1  }
0x2: {  	[smem:$0x3F95] =	sst lr;
	_ =	strace $0xD0000000  }
0x3: {  	_ = 	snop  }
0x4: {  	_ = 	snop  }
0x5: {  	_ = 	snop  }
0x6: {  	_ = 	snop  }
0x7: {  	_ = 	snop  }
__scs_overlays_trampoline_lowered:
0x8: {  	[smem:$0x3FA4] =	sst s0  }
0x9: {  	[smem:$0x3FA5] =	sst s1  }
0xa: {  	[smem:$0x3FA6] =	sst s2  }
0xb: {  	[smem:$0x3FA7] =	sst s3  }
0xc: {  	[smem:$0x3FA8] =	sst s4  }
0xd: {  	[smem:$0x3FA9] =	sst s5  }
0xe: {  	[smem:$0x3FAA] =	sst s6  }
0xf: {  	[smem:$0x3FAB] =	sst s7  }
0x10: {  	[smem:$0x3FAC] =	sst s8  }
0x11: {  	[smem:$0x3FAD] =	sst s9;
	s0 =	simm.s32 @!p0 $0x0  }
0x12: {  	s1 =	sld [smem:$0x3F93];
	s0 =	simm.s32 @p0 $0x1  }
0x13: {  	[smem:$0x3FAE] =	sst s0;
	s0 =	simm.s32 @!p1 $0x0  }
0x14: {  	s2 =	sld [smem:$0x3F92];
	s0 =	simm.s32 @p1 $0x1  }
0x15: {  	[smem:$0x3FAF] =	sst s0;
	s0 =	simm.s32 @!p2 $0x0  }
0x16: {  	s3 =	sld [smem:$0x3FDB];
	s0 =	simm.s32 @p2 $0x1  }
0x17: {  	s4 =	simm.s32 $0x1BF5;
	[smem:$0x3FB1] =	sst s0  }
0x18: {  	s0 =	sld [smem:$0x3F94];
	_ =	swait.ge [sflag:s4], $0x0  }
0x19: {  	s7 =	sld [smem:$0x3F95]  }
0x1a: {  	s8 =	sadd.s32 $0xFFFFE003, lr  }
0x1b: {  	s9 =	sadd.s32 $0xFFFFFEF7, lr;
	s5 =	simm.s32 $0xFFFFFFFF;
	p2 =	slt.u32 s8, $0xFFFFF086  }
0x1c: {  	p1 =	slt.u32 s9, $0xF7A;
	s5 =	simm.s32 @!p2 $0x0  }
0x1d: {  	s5 =	simm.s32 @p1 $0x1;
	p0 =	seq.s32 s7, s2  }
0x1e: {  	s7 =	smul.u32 @!p0 $0xF7A, s2;
	p2 =	seq.s32 @!p0 s5, $0x0  }
0x1f: {  	s9 =	smul.u32 $0xF7A, s1;
	s8 =	simm.s32 @!p0 $0x1BF5;
	p2 =	por !p2, p0  }
0x20: {  	[sflag:s8] =	ssyncset.s32 @!p0 $0xFFFFF086;
	s6 =	sadd.s32 @!p0 s3, s7;
	s7 =	simm.s32 @!p0 $0x108  }
0x21: {  	s3 =	sadd.s32 s3, s9;
	s6 =	sadd.s32 @!p0 $0x88, s6;
	s7 =	simm.s32 @p2 $0x1082  }
0x22: {  	[simem:s7], [sflag:s8] =	dma.local @!p0 [hbm:s6], $0xF7A  }
0x23: {  	s9 =	sor.u32 $0xD0000000, s2;
	s6 =	simm.s32 $0x108;
	_ =	swait.ge @!p0 [sflag:s8], $0x0  }
0x24: {  	s3 =	sadd.s32 $0x88, s3;
	s6 =	simm.s32 @!p1 $0x1082;
	[sflag:s4] =	ssyncset.s32 $0xFFFFF086  }
0x25: {  	[simem:s6], [sflag:s4] =	dma.local [hbm:s3], $0xF7A  }
0x26: {  	[smem:$0x3F95] =	sst s1;
	(tag) =	ssettag s2;
	_ =	strace s9  }
0x27: {  	s1 =	sld [smem:$0x3FA5]  }
0x28: {  	s2 =	sld [smem:$0x3FA6]  }
0x29: {  	s4 =	sld [smem:$0x3FA8]  }
0x2a: {  	p0 =	seq.s32 s5, $0x0;
	s5 =	sld [smem:$0x3FA9]  }
0x2b: {  	s6 =	sld [smem:$0x3FAA]  }
0x2c: {  	s7 =	sld [smem:$0x3FAB]  }
0x2d: {  	s3 =	simm.s32 $0x108;
	s8 =	sld [smem:$0x3FAC]  }
0x2e: {  	s3 =	simm.s32 @!p0 $0x1082;
	s9 =	sld [smem:$0x3FAD]  }
0x2f: {  	lr =	sadd.s32 s0, s3;
	s0 =	sld [smem:$0x3FA4]  }
0x30: {  	s3 =	sld [smem:$0x3FA7]  }
0x31: {  	[smem:$0x3FB0] =	sst s10  }
0x32: {  	s10 =	sld [smem:$0x3FAE];
	_ =	sdelay $0x3  }
0x33: {  	p0 =	seq.s32 s10, $0x1;
	s10 =	sld [smem:$0x3FB0];
	_ =	sdelay $0x3  }
0x34: {  	[smem:$0x3FB0] =	sst s10  }
0x35: {  	s10 =	sld [smem:$0x3FAF];
	_ =	sdelay $0x3  }
0x36: {  	p1 =	seq.s32 s10, $0x1;
	s10 =	sld [smem:$0x3FB0];
	_ =	sdelay $0x3  }
0x37: {  	[smem:$0x3FB0] =	sst s10  }
0x38: {  	s10 =	sld [smem:$0x3FB1]  }
0x39: {  	_ = 	snop;
	(pc) =	sbr.ind lr, $3  }
0x3a: {  	_ = 	snop  }
0x3b: {  	_ = 	snop  }
0x3c: {  	p2 =	seq.s32 s10, $0x1;
	s10 =	sld [smem:$0x3FB0]  }
0x3d: {  	_ =	shalt  }
0x3e: {  	_ =	shalt  }
0x3f: {  	_ =	shalt  }
0x40: {  	_ =	shalt  }
0x41: {  	_ =	shalt  }
0x42: {  	_ =	shalt  }
0x43: {  	_ =	shalt  }
0x44: {  	_ =	shalt  }
0x45: {  	_ =	shalt  }
0x46: {  	_ =	shalt  }
0x47: {  	_ =	shalt  }
0x48: {  	_ =	shalt  }
0x49: {  	_ =	shalt  }
0x4a: {  	_ =	shalt  }
0x4b: {  	_ =	shalt  }
0x4c: {  	_ =	shalt  }
0x4d: {  	_ =	shalt  }
0x4e: {  	_ =	shalt  }
0x4f: {  	_ =	shalt  }
0x50: {  	_ =	shalt  }
0x51: {  	_ =	shalt  }
0x52: {  	_ =	shalt  }
0x53: {  	_ =	shalt  }
0x54: {  	_ =	shalt  }
0x55: {  	_ =	shalt  }
0x56: {  	_ =	shalt  }
0x57: {  	_ =	shalt  }
0x58: {  	_ =	shalt  }
0x59: {  	_ =	shalt  }
0x5a: {  	_ =	shalt  }
0x5b: {  	_ =	shalt  }
0x5c: {  	_ =	shalt  }
0x5d: {  	_ =	shalt  }
0x5e: {  	_ =	shalt  }
0x5f: {  	_ =	shalt  }
0x60: {  	_ =	shalt  }
0x61: {  	_ =	shalt  }
0x62: {  	_ =	shalt  }
0x63: {  	_ =	shalt  }
0x64: {  	_ =	shalt  }
0x65: {  	_ =	shalt  }
0x66: {  	_ =	shalt  }
0x67: {  	_ =	shalt  }
0x68: {  	_ =	shalt  }
0x69: {  	_ =	shalt  }
0x6a: {  	_ =	shalt  }
0x6b: {  	_ =	shalt  }
0x6c: {  	_ =	shalt  }
0x6d: {  	_ =	shalt  }
0x6e: {  	_ =	shalt  }
0x6f: {  	_ =	shalt  }
0x70: {  	_ =	shalt  }
0x71: {  	_ =	shalt  }
0x72: {  	_ =	shalt  }
0x73: {  	_ =	shalt  }
0x74: {  	_ =	shalt  }
0x75: {  	_ =	shalt  }
0x76: {  	_ =	shalt  }
0x77: {  	_ =	shalt  }
0x78: {  	_ =	shalt  }
0x79: {  	_ =	shalt  }
0x7a: {  	_ =	shalt  }
0x7b: {  	_ =	shalt  }
0x7c: {  	_ =	shalt  }
0x7d: {  	_ =	shalt  }
0x7e: {  	_ =	shalt  }
0x7f: {  	_ =	shalt  }
0x80: {  	_ =	shalt  }
0x81: {  	_ =	shalt  }
0x82: {  	_ =	shalt  }
0x83: {  	_ =	shalt  }
0x84: {  	_ =	shalt  }
0x85: {  	_ =	shalt  }
0x86: {  	_ =	shalt  }
0x87: {  	_ =	shalt  }
.Lfunc_end0:
.L_simem_size_0:
called_computation_lowered:
.L_overlay_start_0:
0x88: {  	s2 =	sld [smem:$0x3FD9]  }
0x89: {  	s3 =	sld [smem:$0x3FFE];
	_ =	sdelay $0x1  }
0x8a: {  	s1 =	srdreg.scid  }
0x8b: {  	s0 =	sand.u32 $0x1, s1  }
0x8c: {  	s16 =	sshll.u32 s0, $0xA;
	s2 =	sadd.s32 s3, s2  }
0x8d: {  	s2 =	sadd.s32 s2, s16  }
0x8e: {  	[smem:$0x3FBC] =	sst s2  }
0x8f: {  	_ = 	snop  }
0x90: {  	(tm) =	ssettm $0x1  }
0x91: {  	s17 =	sld [smem:$0x3FFB];
	_ =	sdelay $0x3  }
0x92: {  	_ =	strace s17  }
0x93: {  	s2 =	sld [smem:$0x3FFC];
	_ =	sdelay $0x3  }
0x94: {  	_ =	strace s2  }
0x95: {  	s2 =	sld [smem:$0x3FFD];
	_ =	sdelay $0x3  }
0x96: {  	_ =	strace s2  }
0x97: {  	_ =	strace $0x8FFFFFFF  }
0x98: {  	s18 =	sld [smem:$0x3FDB];
	_ =	sdelay $0x1  }
0x99: {  	s19 =	simm.s32 $_scs_section_size  }
0x9a: {  	s4 =	simm.s32 $_size__tile_overlayer_lowered;
	s5 =	simm.s32 $_tile_overlayer_lowered  }
0x9b: {  	s22 =	simm.s32 $0x1BFF;
	s21 =	sshll.u32 s5, $0x1;
	s2 =	sadd.s32 s19, s18  }
0x9c: {  	s6 =	simm.s32 $0x0;
	s20 =	sshll.u32 s4, $0x1;
	s4 =	sadd.s32 s21, s2  }
0x9d: {  	[timem:s6], [sflag:s22] =	dma.local [hbm:s4], s20  }
0x9e: {  	_ =	swait.ge [sflag:s22], s20  }
0x9f: {  	s3 =	ssub.s32 $0x0, s20;
	[sflag:s22] =	ssyncset.done $0x0  }
0xa0: {  	[sflag:s22] =	ssyncadd.s32 s3;
	_ =	sdelay $0x1  }
0xa1: {  	s23 =	simm.s32 $0x1B8B  }
0xa2: {  	_ =	swait.ge [sflag:s23], $0x1  }
0xa3: {  	[sflag:s23] =	ssyncset.done $0x0  }
0xa4: {  	s25 =	simm.s32 $0x1B8E;
	s24 =	sld [smem:$0x3FFE];
	[sflag:s23] =	ssyncadd.s32 $0xFFFFFFFF  }
0xa5: {  	s26 =	simm.s32 $execute0_lowered;
	[smem:$0x3FD2] =	sst s25  }
0xa6: {  	s4 =	sshll.u32 s26, $0x1;
	_ =	strace $0x80000046;
	[dreg:$0x1] =	wrdreg $0xFFFFFFFF  }
0xa7: {  	s28 =	simm.s32 $_size_execute0_lowered;
	s2 =	sadd.s32 s2, s4;
	[dreg:$0x0] =	wrdreg $0x0  }
0xa8: {  	s4 =	sshll.u32 s28, $0x1;
	[dreg:$0x2] =	wrdreg s2  }
0xa9: {  	[dreg:$0x3] =	wrdreg s4  }
0xaa: {  	[dreg:$0x4] =	wrdreg $0xC0  }
0xab: {  	_ =	task [dreg:s6], $0x5FFFF  }
0xac: {  	[dreg:$0x1] =	wrdreg $0xFFFFFFFF  }
0xad: {  	[dreg:$0x0] =	wrdreg $0x60  }
0xae: {  	[dreg:$0x2] =	wrdreg s24  }
0xaf: {  	[dreg:$0x3] =	wrdreg $0x68000  }
0xb0: {  	[dreg:$0x4] =	wrdreg $0x9  }
0xb1: {  	_ =	task.clear_ibuf [dreg:s6], $0x5FFFF;
	_ =	strace $0x90000046  }
0xb2: {  	s29 =	simm.s32 $0x9;
	_ =	strace $0x80000048  }
0xb3: {  	_ =	swait.ge [sflag:s29], $0x1  }
0xb4: {  	[sflag:s29] =	ssyncadd.s32 $0xFFFFFFFF  }
0xb5: {  	_ =	strace $0x90000048  }
0xb6: {  	_ =	sfence  }
0xb7: {  	s30 =	sld [smem:$0x0];
	_ =	sdelay $0x2  }
0xb8: {  	s31 =	sshll.u32 s1, $0xD;
	s1 =	sshrl.u32 s1, $0x2  }
0xb9: {  	s3 =	sand.u32 $0x4000, s31;
	s1 =	sadd.s32 s1, s30  }
0xba: {  	s0 =	sor.u32 s3, s0;
	s1 =	sshll.u32 s1, $0x11  }
0xbb: {  	s0 =	sor.u32 s1, s0  }
0xbc: {  	s0 =	sadd.s32 $0x8F2B, s0  }
0xbd: {  	[sflag:s0] =	ssyncadd.remote.s32 $0x1  }
0xbe: {  	_ =	sfence.sel $0xFFFF  }
0xbf: {  	[dreg:$0x0] =	wrdreg $0xFFFFFFFF;
	(pc) =	sbr.abs _section_cstart, $3  }
0xc0: {  	[dreg:$0x1] =	wrdreg $0xFFFFFFFF  }
0xc1: {  	_ =	task.clear_ibuf [dreg:s6], $0x2FFFF;
	_ =	strace $0x9FFFFFFF  }
0xc2: {  	(tm) =	ssettm $0x7FFFFFFF  }
0xc3: {  	_ =	shalt  }
tec
execute0_lowered:
.L_overlay_start_1:
0x0: {  	(tag) =	ssettag $0x1  }
0x1: {  	s4 =	rddreg [dreg:$0x0];
	s0 =	srdreg.scid  }
0x2: {  	s2 =	rddreg [dreg:$0x1];
	s1 =	stileid.u32;
	s3 =	simm.s32 $0x0  }
0x3: {  	s15 =	simm.s32 $0x1;
	s16 =	simm.s32 $0x4000;
	s17 =	simm.s32 $0x50  }
0x4: {  	s5 =	sand.u32 $0x1, s0;
	s0 =	rddreg [dreg:$0x2];
	s7 =	smul.u32 $0x14000, s1  }
0x5: {  	s20 =	simm.s32 $0x0;
	[smem:$0x7FF] =	sst s3;
	s9 =	smul.u32 $0x50000, s1  }
0x6: {  	s8 =	sshll.u32 s1, $0xB;
	s18 =	sshll.u32 s1, $0x6;
	s6 =	smul.u32 $0x140000, s5  }
0x7: {  	_ =	strace $0x80000047;
	s8 =	sadd.s32 s8, s4;
	s28 =	ssub.s32 $0x2, s5  }
0x8: {  	s5 =	sshll.u32 s5, $0xF;
	s18 =	sor.u32 $0x1C01, s18;
	s6 =	sadd.s32 s7, s6  }
0x9: {  	s29 =	sshrl.u32 s28, $0x1;
	s30 =	sadd.s32 s5, s8;
	s6 =	sshrl.u32 s6, $0x3  }
0xa: {  	s31 =	sshrl.u32 s9, $0x2;
	s7 =	ssub.s32 s28, s29;
	s6 =	sadd.s32 s6, s4  }
0xb: {  	s7 =	smax.u32 s7, $0x1;
	s5 =	sadd.s32 $0x13600, s6;
	s6 =	sadd.s32 s31, s2  }
0xc: {  	s4 =	sadd.s32 $0x3600, s30;
	s8 =	sadd.s32 $0x2800, s6;
	s9 =	sadd.s32 $0x5000, s6  }
0xd: {  	s10 =	sadd.s32 $0x7800, s6;
	s11 =	sadd.s32 $0xA000, s6;
	s12 =	sadd.s32 $0xC800, s6  }
0xe: {  	v0 =	vimm.f32 $0.0e+00;
	v1 =	vimm.f32 $1.000000000e+00;
	s13 =	sadd.s32 $0xF000, s6;
	s14 =	sadd.s32 $0x11800, s6;
	s19 =	sshrl.u32 s6, $0x3  }
.LBB2_1:
0xf: {  	[tilespmem:s3], [sflag:$0x1] =	stream.linear.gather [hbm4b:s4+s3], $0x3E80, $0x38;
	[tilespmem:$0x1A800] =	vst v63  }
0x10: {  	s21 =	sand.u32 $0xFE00, s3;
	s22 =	sand.u32 $0x70, s3;
	_ =	swait.ge [sflag:s15], $0x3E80  }
0x11: {  	s23 =	sshrl.u32 s21, $0x2;
	s21 =	simm.s32 $0x40;
	[sflag:s15] =	ssyncset.done $0x0  }
0x12: {  	s23 =	sor.u32 s22, s23;
	s22 =	simm.s32 $0x0;
	[sflag:s15] =	ssyncadd.s32 $0xFFFFC180  }
.LBB2_2:
0x13: {  	p0 =	sne.s32 s21, $0x9FC0  }
0x14: {  	[tilespmem:s23+$0x4000] =	vst v0;
	s22 =	sadd.s32 $0x10, s22;
	s23 =	smov.u32 s21;
	s21 =	sadd.s32 $0x40, s21  }
.Ltmp0:
0x15: {  	(pc) =	sbr.rel @p0 .LBB2_2-.Ltmp0, $4  }
0x16: {  	_ = 	snop  }
0x17: {  	s23 =	sand.u32 $0xFE00, s23  }
0x18: {  	s24 =	sand.u32 $0x70, s22;
	s23 =	sshrl.u32 s23, $0x2  }
0x19: {  	s23 =	sor.u32 s24, s23  }
0x1a: {  	[tilespmem:s23+$0x4000] =	vst v0  }
0x1b: {  	[spmem:s6] =	stream.linear.scatter [tilespmem:s16], [sflag:$0x1], $0x2800, $0x38;
	[tilespmem:$0x1A800] =	vst v63  }
0x1c: {  	_ =	swait.ge [sflag:s15], $0x2800  }
0x1d: {  	[sflag:s15] =	ssyncset.done $0x0  }
0x1e: {  	[sflag:s15] =	ssyncadd.s32 $0xFFFFD800  }
0x1f: {  	[spmem:s8] =	stream.linear.scatter [tilespmem:s16], [sflag:$0x1], $0x2800, $0x38;
	[tilespmem:$0x1A800] =	vst v63  }
0x20: {  	_ =	swait.ge [sflag:s15], $0x2800  }
0x21: {  	[sflag:s15] =	ssyncset.done $0x0  }
0x22: {  	[sflag:s15] =	ssyncadd.s32 $0xFFFFD800  }
0x23: {  	[spmem:s9] =	stream.linear.scatter [tilespmem:s16], [sflag:$0x1], $0x2800, $0x38;
	[tilespmem:$0x1A800] =	vst v63  }
0x24: {  	_ =	swait.ge [sflag:s15], $0x2800  }
0x25: {  	[sflag:s15] =	ssyncset.done $0x0  }
0x26: {  	[sflag:s15] =	ssyncadd.s32 $0xFFFFD800  }
0x27: {  	[spmem:s10] =	stream.linear.scatter [tilespmem:s16], [sflag:$0x1], $0x2800, $0x38;
	[tilespmem:$0x1A800] =	vst v63  }
0x28: {  	_ =	swait.ge [sflag:s15], $0x2800  }
0x29: {  	[sflag:s15] =	ssyncset.done $0x0  }
0x2a: {  	[sflag:s15] =	ssyncadd.s32 $0xFFFFD800  }
0x2b: {  	[spmem:s11] =	stream.linear.scatter [tilespmem:s16], [sflag:$0x1], $0x2800, $0x38;
	[tilespmem:$0x1A800] =	vst v63  }
0x2c: {  	_ =	swait.ge [sflag:s15], $0x2800  }
0x2d: {  	[sflag:s15] =	ssyncset.done $0x0  }
0x2e: {  	[sflag:s15] =	ssyncadd.s32 $0xFFFFD800  }
0x2f: {  	[spmem:s12] =	stream.linear.scatter [tilespmem:s16], [sflag:$0x1], $0x2800, $0x38;
	[tilespmem:$0x1A800] =	vst v63  }
0x30: {  	_ =	swait.ge [sflag:s15], $0x2800  }
0x31: {  	[sflag:s15] =	ssyncset.done $0x0  }
0x32: {  	[sflag:s15] =	ssyncadd.s32 $0xFFFFD800  }
0x33: {  	[spmem:s13] =	stream.linear.scatter [tilespmem:s16], [sflag:$0x1], $0x2800, $0x38;
	[tilespmem:$0x1A800] =	vst v63  }
0x34: {  	_ =	swait.ge [sflag:s15], $0x2800  }
0x35: {  	[sflag:s15] =	ssyncset.done $0x0  }
0x36: {  	s21 =	simm.s32 $0x0;
	[sflag:s15] =	ssyncadd.s32 $0xFFFFD800  }
0x37: {  	[spmem:s14] =	stream.linear.scatter [tilespmem:s16], [sflag:$0x1], $0x2800, $0x38;
	[tilespmem:$0x1A800] =	vst v63  }
0x38: {  	s22 =	sand.u32 $0xFE00, s21;
	_ =	swait.ge [sflag:s15], $0x2800  }
0x39: {  	s31 =	sand.u32 $0x70, s21;
	s24 =	sshrl.u32 s22, $0x2;
	[sflag:s15] =	ssyncset.done $0x0  }
0x3a: {  	s22 =	simm.s32 $0x40;
	s23 =	sor.u32 s31, s24;
	[sflag:s15] =	ssyncadd.s32 $0xFFFFD800  }
.LBB2_4:
0x3b: {  	p0 =	sne.s32 s22, $0x9FC0  }
0x3c: {  	[tilespmem:s23+$0x4000] =	vst v1;
	s21 =	sadd.s32 $0x10, s21;
	s23 =	smov.u32 s22;
	s22 =	sadd.s32 $0x40, s22  }
.Ltmp1:
0x3d: {  	(pc) =	sbr.rel @p0 .LBB2_4-.Ltmp1, $4  }
0x3e: {  	_ = 	snop  }
0x3f: {  	s23 =	sand.u32 $0xFE00, s23  }
0x40: {  	s24 =	sand.u32 $0x70, s21;
	s23 =	sshrl.u32 s23, $0x2  }
0x41: {  	s23 =	sor.u32 s24, s23  }
0x42: {  	[tilespmem:s23+$0x4000] =	vst v1  }
0x43: {  	s21 =	simm.s32 $0x0;
	[bflag:$0x0] =	sbarrier.arrive $0xFFFF  }
0x44: {  	[spmem:s2] =	stream.indirect.scatter.add.f32 [tilespmem:s16], [sflag:$0x1], $0x80, s21, s17, $0xb8;
	[tilespmem:$0x1A800] =	vst v63  }
0x45: {  	_ =	swait.ge [sflag:s15], $0x2800  }
0x46: {  	s21 =	simm.s32 $0x200;
	[sflag:s15] =	ssyncset.done $0x0  }
.LBB2_6:
0x47: {  	s22 =	sshra.s32 s21, $0x2;
	[sflag:s15] =	ssyncadd.s32 $0xFFFFD800;
	p0 =	sne.s32 s21, $0xF800  }
0x48: {  	[spmem:s2] =	stream.indirect.scatter.add.f32 [tilespmem:s16], [sflag:$0x1], $0x80, s22, s17, $0xb8;
	[tilespmem:$0x1A800] =	vst v63  }
.Ltmp2:
0x49: {  	_ = 	snop;
	(pc) =	sbr.rel @p0 .LBB2_6-.Ltmp2, $4  }
0x4a: {  	_ = 	snop  }
0x4b: {  	s21 =	sadd.s32 $0x200, s21  }
0x4c: {  	_ =	swait.ge [sflag:s15], $0x2800  }
0x4d: {  	[sflag:s15] =	ssyncset.done $0x0  }
0x4e: {  	s20 =	sadd.s32 $0x1, s20  }
0x4f: {  	[sflag:s15] =	ssyncadd.s32 $0xFFFFD800;
	p0 =	sne.s32 s20, s7  }
.Ltmp3:
0x50: {  	[bflag:$0x0] =	sbarrier.arrive $0xFFFF;
	(pc) =	sbr.rel @p0 .LBB2_1-.Ltmp3, $4  }
0x51: {  	[hbm:s5], [sflag:s18] =	dma.local [spmem:s19], $0x2800  }
0x52: {  	_ =	swait.ge [sflag:s15], $0x2800  }
0x53: {  	[sflag:s15] =	ssyncset.done $0x0  }
0x54: {  	[sflag:s15] =	ssyncadd.s32 $0xFFFFD800  }
0x55: {  	_ =	sfence.sel $0x180000  }
0x56: {  	[bflag:$0x0] =	sbarrier.arrive $0xFFFF  }
0x57: {  	p0 =	sne.s32 s1, $0x0;
	_ =	strace $0x90000047  }
0x58: {  	s0 =	sadd.s32 @!p0 $0x100000, s0;
	[bflag:$0x2] =	sbarrier.arrive $0xFFFF  }
0x59: {  	[sflag:s0] =	ssyncadd.tile.s32 @!p0 $0x1;
	_ =	shalt  }
.Lfunc_end2:
_tile_overlayer_lowered:
.L_overlay_start_2:
0x5a: {  	(tag) =	ssettag $0x2  }
0x5b: {  	s0 =	rddreg [dreg:$0x0];
	s2 =	stileid.u32  }
0x5c: {  	s1 =	rddreg [dreg:$0x1];
	p0 =	sne.s32 s2, $0x0  }
0x5d: {  	s3 =	rddreg [dreg:$0x2];
	[bflag:$0x3] =	sbarrier.arrive $0xFFFF;
	s2 =	simm.s32 @!p0 $0x1C01  }
0x5e: {  	[timem:s3], [sflag:s2] =	dma.local @!p0 [hbm:s0], s1  }
0x5f: {  	s0 =	simm.s32 @!p0 $0x1  }
0x60: {  	_ =	swait.ge @!p0 [sflag:s0], s1  }
0x61: {  	s1 =	ssub.s32 @!p0 $0x0, s1;
	[sflag:s0] =	ssyncset.done @!p0 $0x0  }
0x62: {  	[sflag:s0] =	ssyncadd.s32 @!p0 s1  }
0x63: {  	[bflag:$0x3] =	sbarrier.arrive $0xFFFF  }
0x64: {  	_ =	shalt  }

// kernel: kernel.13.cloned.1.call-start
scs
__scs_entry_jumppad:
0x0: {  	(pc) =	sbr.rel $0x88, $3  }
0x1: {  	(tag) =	ssettag $0x0;
	lr =	simm.s32 $0x1  }
0x2: {  	[smem:$0x3F95] =	sst lr;
	_ =	strace $0xD0000000  }
0x3: {  	_ = 	snop  }
0x4: {  	_ = 	snop  }
0x5: {  	_ = 	snop  }
0x6: {  	_ = 	snop  }
0x7: {  	_ = 	snop  }
__scs_overlays_trampoline_lowered:
0x8: {  	[smem:$0x3FA4] =	sst s0  }
0x9: {  	[smem:$0x3FA5] =	sst s1  }
0xa: {  	[smem:$0x3FA6] =	sst s2  }
0xb: {  	[smem:$0x3FA7] =	sst s3  }
0xc: {  	[smem:$0x3FA8] =	sst s4  }
0xd: {  	[smem:$0x3FA9] =	sst s5  }
0xe: {  	[smem:$0x3FAA] =	sst s6  }
0xf: {  	[smem:$0x3FAB] =	sst s7  }
0x10: {  	[smem:$0x3FAC] =	sst s8  }
0x11: {  	[smem:$0x3FAD] =	sst s9;
	s0 =	simm.s32 @!p0 $0x0  }
0x12: {  	s1 =	sld [smem:$0x3F93];
	s0 =	simm.s32 @p0 $0x1  }
0x13: {  	[smem:$0x3FAE] =	sst s0;
	s0 =	simm.s32 @!p1 $0x0  }
0x14: {  	s2 =	sld [smem:$0x3F92];
	s0 =	simm.s32 @p1 $0x1  }
0x15: {  	[smem:$0x3FAF] =	sst s0;
	s0 =	simm.s32 @!p2 $0x0  }
0x16: {  	s3 =	sld [smem:$0x3FDB];
	s0 =	simm.s32 @p2 $0x1  }
0x17: {  	s4 =	simm.s32 $0x1BF5;
	[smem:$0x3FB1] =	sst s0  }
0x18: {  	s0 =	sld [smem:$0x3F94];
	_ =	swait.ge [sflag:s4], $0x0  }
0x19: {  	s7 =	sld [smem:$0x3F95]  }
0x1a: {  	s8 =	sadd.s32 $0xFFFFE003, lr  }
0x1b: {  	s9 =	sadd.s32 $0xFFFFFEF7, lr;
	s5 =	simm.s32 $0xFFFFFFFF;
	p2 =	slt.u32 s8, $0xFFFFF086  }
0x1c: {  	p1 =	slt.u32 s9, $0xF7A;
	s5 =	simm.s32 @!p2 $0x0  }
0x1d: {  	s5 =	simm.s32 @p1 $0x1;
	p0 =	seq.s32 s7, s2  }
0x1e: {  	s7 =	smul.u32 @!p0 $0xF7A, s2;
	p2 =	seq.s32 @!p0 s5, $0x0  }
0x1f: {  	s9 =	smul.u32 $0xF7A, s1;
	s8 =	simm.s32 @!p0 $0x1BF5;
	p2 =	por !p2, p0  }
0x20: {  	[sflag:s8] =	ssyncset.s32 @!p0 $0xFFFFF086;
	s6 =	sadd.s32 @!p0 s3, s7;
	s7 =	simm.s32 @!p0 $0x108  }
0x21: {  	s3 =	sadd.s32 s3, s9;
	s6 =	sadd.s32 @!p0 $0x88, s6;
	s7 =	simm.s32 @p2 $0x1082  }
0x22: {  	[simem:s7], [sflag:s8] =	dma.local @!p0 [hbm:s6], $0xF7A  }
0x23: {  	s9 =	sor.u32 $0xD0000000, s2;
	s6 =	simm.s32 $0x108;
	_ =	swait.ge @!p0 [sflag:s8], $0x0  }
0x24: {  	s3 =	sadd.s32 $0x88, s3;
	s6 =	simm.s32 @!p1 $0x1082;
	[sflag:s4] =	ssyncset.s32 $0xFFFFF086  }
0x25: {  	[simem:s6], [sflag:s4] =	dma.local [hbm:s3], $0xF7A  }
0x26: {  	[smem:$0x3F95] =	sst s1;
	(tag) =	ssettag s2;
	_ =	strace s9  }
0x27: {  	s1 =	sld [smem:$0x3FA5]  }
0x28: {  	s2 =	sld [smem:$0x3FA6]  }
0x29: {  	s4 =	sld [smem:$0x3FA8]  }
0x2a: {  	p0 =	seq.s32 s5, $0x0;
	s5 =	sld [smem:$0x3FA9]  }
0x2b: {  	s6 =	sld [smem:$0x3FAA]  }
0x2c: {  	s7 =	sld [smem:$0x3FAB]  }
0x2d: {  	s3 =	simm.s32 $0x108;
	s8 =	sld [smem:$0x3FAC]  }
0x2e: {  	s3 =	simm.s32 @!p0 $0x1082;
	s9 =	sld [smem:$0x3FAD]  }
0x2f: {  	lr =	sadd.s32 s0, s3;
	s0 =	sld [smem:$0x3FA4]  }
0x30: {  	s3 =	sld [smem:$0x3FA7]  }
0x31: {  	[smem:$0x3FB0] =	sst s10  }
0x32: {  	s10 =	sld [smem:$0x3FAE];
	_ =	sdelay $0x3  }
0x33: {  	p0 =	seq.s32 s10, $0x1;
	s10 =	sld [smem:$0x3FB0];
	_ =	sdelay $0x3  }
0x34: {  	[smem:$0x3FB0] =	sst s10  }
0x35: {  	s10 =	sld [smem:$0x3FAF];
	_ =	sdelay $0x3  }
0x36: {  	p1 =	seq.s32 s10, $0x1;
	s10 =	sld [smem:$0x3FB0];
	_ =	sdelay $0x3  }
0x37: {  	[smem:$0x3FB0] =	sst s10  }
0x38: {  	s10 =	sld [smem:$0x3FB1]  }
0x39: {  	_ = 	snop;
	(pc) =	sbr.ind lr, $3  }
0x3a: {  	_ = 	snop  }
0x3b: {  	_ = 	snop  }
0x3c: {  	p2 =	seq.s32 s10, $0x1;
	s10 =	sld [smem:$0x3FB0]  }
0x3d: {  	_ =	shalt  }
0x3e: {  	_ =	shalt  }
0x3f: {  	_ =	shalt  }
0x40: {  	_ =	shalt  }
0x41: {  	_ =	shalt  }
0x42: {  	_ =	shalt  }
0x43: {  	_ =	shalt  }
0x44: {  	_ =	shalt  }
0x45: {  	_ =	shalt  }
0x46: {  	_ =	shalt  }
0x47: {  	_ =	shalt  }
0x48: {  	_ =	shalt  }
0x49: {  	_ =	shalt  }
0x4a: {  	_ =	shalt  }
0x4b: {  	_ =	shalt  }
0x4c: {  	_ =	shalt  }
0x4d: {  	_ =	shalt  }
0x4e: {  	_ =	shalt  }
0x4f: {  	_ =	shalt  }
0x50: {  	_ =	shalt  }
0x51: {  	_ =	shalt  }
0x52: {  	_ =	shalt  }
0x53: {  	_ =	shalt  }
0x54: {  	_ =	shalt  }
0x55: {  	_ =	shalt  }
0x56: {  	_ =	shalt  }
0x57: {  	_ =	shalt  }
0x58: {  	_ =	shalt  }
0x59: {  	_ =	shalt  }
0x5a: {  	_ =	shalt  }
0x5b: {  	_ =	shalt  }
0x5c: {  	_ =	shalt  }
0x5d: {  	_ =	shalt  }
0x5e: {  	_ =	shalt  }
0x5f: {  	_ =	shalt  }
0x60: {  	_ =	shalt  }
0x61: {  	_ =	shalt  }
0x62: {  	_ =	shalt  }
0x63: {  	_ =	shalt  }
0x64: {  	_ =	shalt  }
0x65: {  	_ =	shalt  }
0x66: {  	_ =	shalt  }
0x67: {  	_ =	shalt  }
0x68: {  	_ =	shalt  }
0x69: {  	_ =	shalt  }
0x6a: {  	_ =	shalt  }
0x6b: {  	_ =	shalt  }
0x6c: {  	_ =	shalt  }
0x6d: {  	_ =	shalt  }
0x6e: {  	_ =	shalt  }
0x6f: {  	_ =	shalt  }
0x70: {  	_ =	shalt  }
0x71: {  	_ =	shalt  }
0x72: {  	_ =	shalt  }
0x73: {  	_ =	shalt  }
0x74: {  	_ =	shalt  }
0x75: {  	_ =	shalt  }
0x76: {  	_ =	shalt  }
0x77: {  	_ =	shalt  }
0x78: {  	_ =	shalt  }
0x79: {  	_ =	shalt  }
0x7a: {  	_ =	shalt  }
0x7b: {  	_ =	shalt  }
0x7c: {  	_ =	shalt  }
0x7d: {  	_ =	shalt  }
0x7e: {  	_ =	shalt  }
0x7f: {  	_ =	shalt  }
0x80: {  	_ =	shalt  }
0x81: {  	_ =	shalt  }
0x82: {  	_ =	shalt  }
0x83: {  	_ =	shalt  }
0x84: {  	_ =	shalt  }
0x85: {  	_ =	shalt  }
0x86: {  	_ =	shalt  }
0x87: {  	_ =	shalt  }
.Lfunc_end0:
.L_simem_size_0:
called_computation.1_lowered:
.L_overlay_start_0:
0x88: {  	s2 =	sld [smem:$0x3FD9]  }
0x89: {  	s3 =	sld [smem:$0x3FFE];
	_ =	sdelay $0x1  }
0x8a: {  	s1 =	srdreg.scid  }
0x8b: {  	s0 =	sand.u32 $0x1, s1  }
0x8c: {  	s16 =	sshll.u32 s0, $0xA;
	s2 =	sadd.s32 s3, s2  }
0x8d: {  	s2 =	sadd.s32 s2, s16  }
0x8e: {  	[smem:$0x3FBC] =	sst s2  }
0x8f: {  	_ = 	snop  }
0x90: {  	(tm) =	ssettm $0x1  }
0x91: {  	s17 =	sld [smem:$0x3FFB];
	_ =	sdelay $0x3  }
0x92: {  	_ =	strace s17  }
0x93: {  	s2 =	sld [smem:$0x3FFC];
	_ =	sdelay $0x3  }
0x94: {  	_ =	strace s2  }
0x95: {  	s2 =	sld [smem:$0x3FFD];
	_ =	sdelay $0x3  }
0x96: {  	_ =	strace s2  }
0x97: {  	_ =	strace $0x8FFFFFFF  }
0x98: {  	s18 =	sld [smem:$0x3FDB];
	_ =	sdelay $0x1  }
0x99: {  	s19 =	simm.s32 $_scs_section_size  }
0x9a: {  	s4 =	simm.s32 $_size__tile_overlayer_lowered;
	s5 =	simm.s32 $_tile_overlayer_lowered  }
0x9b: {  	s22 =	simm.s32 $0x1BFF;
	s21 =	sshll.u32 s5, $0x1;
	s2 =	sadd.s32 s19, s18  }
0x9c: {  	s6 =	simm.s32 $0x0;
	s20 =	sshll.u32 s4, $0x1;
	s4 =	sadd.s32 s21, s2  }
0x9d: {  	[timem:s6], [sflag:s22] =	dma.local [hbm:s4], s20  }
0x9e: {  	_ =	swait.ge [sflag:s22], s20  }
0x9f: {  	s3 =	ssub.s32 $0x0, s20;
	[sflag:s22] =	ssyncset.done $0x0  }
0xa0: {  	[sflag:s22] =	ssyncadd.s32 s3;
	_ =	sdelay $0x1  }
0xa1: {  	s23 =	simm.s32 $0x1B8B  }
0xa2: {  	_ =	swait.ge [sflag:s23], $0x1  }
0xa3: {  	[sflag:s23] =	ssyncset.done $0x0  }
0xa4: {  	s25 =	simm.s32 $0x1B8E;
	s24 =	sld [smem:$0x3FFE];
	[sflag:s23] =	ssyncadd.s32 $0xFFFFFFFF  }
0xa5: {  	s26 =	simm.s32 $execute0_lowered;
	[smem:$0x3FD2] =	sst s25  }
0xa6: {  	s4 =	sshll.u32 s26, $0x1;
	_ =	strace $0x80000049;
	[dreg:$0x1] =	wrdreg $0xFFFFFFFF  }
0xa7: {  	s28 =	simm.s32 $_size_execute0_lowered;
	s2 =	sadd.s32 s2, s4;
	[dreg:$0x0] =	wrdreg $0x0  }
0xa8: {  	s4 =	sshll.u32 s28, $0x1;
	[dreg:$0x2] =	wrdreg s2  }
0xa9: {  	[dreg:$0x3] =	wrdreg s4  }
0xaa: {  	[dreg:$0x4] =	wrdreg $0xC0  }
0xab: {  	_ =	task [dreg:s6], $0x5FFFF  }
0xac: {  	[dreg:$0x1] =	wrdreg $0xFFFFFFFF  }
0xad: {  	[dreg:$0x0] =	wrdreg $0x60  }
0xae: {  	[dreg:$0x2] =	wrdreg s24  }
0xaf: {  	[dreg:$0x3] =	wrdreg $0xA8000  }
0xb0: {  	[dreg:$0x4] =	wrdreg $0x9  }
0xb1: {  	_ =	task.clear_ibuf [dreg:s6], $0x5FFFF;
	_ =	strace $0x90000049  }
0xb2: {  	s29 =	simm.s32 $0x9;
	_ =	strace $0x8000004B  }
0xb3: {  	_ =	swait.ge [sflag:s29], $0x1  }
0xb4: {  	[sflag:s29] =	ssyncadd.s32 $0xFFFFFFFF  }
0xb5: {  	_ =	strace $0x9000004B  }
0xb6: {  	_ =	sfence  }
0xb7: {  	s30 =	sld [smem:$0x0];
	_ =	sdelay $0x2  }
0xb8: {  	s31 =	sshll.u32 s1, $0xD;
	s1 =	sshrl.u32 s1, $0x2  }
0xb9: {  	s3 =	sand.u32 $0x4000, s31;
	s1 =	sadd.s32 s1, s30  }
0xba: {  	s0 =	sor.u32 s3, s0;
	s1 =	sshll.u32 s1, $0x11  }
0xbb: {  	s0 =	sor.u32 s1, s0  }
0xbc: {  	s0 =	sadd.s32 $0x8F2B, s0  }
0xbd: {  	[sflag:s0] =	ssyncadd.remote.s32 $0x1  }
0xbe: {  	_ =	sfence.sel $0xFFFF  }
0xbf: {  	[dreg:$0x0] =	wrdreg $0xFFFFFFFF;
	(pc) =	sbr.abs _section_cstart, $3  }
0xc0: {  	[dreg:$0x1] =	wrdreg $0xFFFFFFFF  }
0xc1: {  	_ =	task.clear_ibuf [dreg:s6], $0x2FFFF;
	_ =	strace $0x9FFFFFFF  }
0xc2: {  	(tm) =	ssettm $0x7FFFFFFF  }
0xc3: {  	_ =	shalt  }
tec
execute0_lowered:
.L_overlay_start_1:
0x0: {  	(tag) =	ssettag $0x1  }
0x1: {  	s5 =	rddreg [dreg:$0x0]  }
0x2: {  	s1 =	rddreg [dreg:$0x1]  }
0x3: {  	s0 =	rddreg [dreg:$0x2]  }
0x4: {  	s3 =	simm.s32 $0x0;
	s2 =	srdreg.scid;
	s17 =	simm.s32 $0x2  }
0x5: {  	s18 =	simm.s32 $0x4000;
	s19 =	simm.s32 $0x8000;
	s20 =	simm.s32 $0x50  }
0x6: {  	s21 =	simm.s32 $0x1;
	s24 =	simm.s32 $0x0;
	[smem:$0x7FF] =	sst s3  }
0x7: {  	s6 =	sand.u32 $0x1, s2;
	s2 =	stileid.u32;
	s4 =	sadd.s32 $0x73600, s5  }
0x8: {  	s7 =	smul.u32 $0x140000, s6;
	s8 =	sshll.u32 s6, $0xF;
	s9 =	sshll.u32 s2, $0xB  }
0x9: {  	s10 =	smul.u32 $0x14000, s2;
	_ =	strace $0x8000004A;
	s6 =	ssub.s32 $0x2, s6  }
0xa: {  	s29 =	smul.u32 $0x50000, s2;
	s22 =	sshll.u32 s2, $0x6;
	s8 =	sor.u32 s9, s8  }
0xb: {  	s30 =	sshrl.u32 s6, $0x1;
	s22 =	sor.u32 $0x1C02, s22;
	s7 =	sadd.s32 s10, s7  }
0xc: {  	s8 =	sadd.s32 s8, s5;
	s10 =	ssub.s32 s6, s30;
	s31 =	sshrl.u32 s29, $0x2  }
0xd: {  	s7 =	sshrl.u32 s7, $0x3;
	s6 =	sadd.s32 $0x3600, s8;
	s9 =	smax.u32 s10, $0x1  }
0xe: {  	s11 =	sadd.s32 s7, s5;
	s5 =	sadd.s32 $0x63600, s8;
	s7 =	sadd.s32 s31, s1  }
0xf: {  	s8 =	sadd.s32 $0x9A800, s11;
	s10 =	sadd.s32 $0x2800, s7;
	s11 =	sadd.s32 $0x5000, s7  }
0x10: {  	s12 =	sadd.s32 $0x7800, s7;
	s13 =	sadd.s32 $0xA000, s7;
	s14 =	sadd.s32 $0xC800, s7  }
0x11: {  	v0 =	vimm.f32 $0.0e+00;
	s15 =	sadd.s32 $0xF000, s7;
	s16 =	sadd.s32 $0x11800, s7;
	s23 =	sshrl.u32 s7, $0x3  }
.LBB2_1:
0x12: {  	[tilespmem:s3], [sflag:$0x2] =	stream.linear.gather [hbm4b:s5+s3], $0x3E80, $0x38;
	[tilespmem:$0x1E800] =	vst v63  }
0x13: {  	_ =	swait.ge [sflag:s17], $0x3E80  }
0x14: {  	[sflag:s17] =	ssyncset.done $0x0  }
0x15: {  	[sflag:s17] =	ssyncadd.s32 $0xFFFFC180  }
0x16: {  	[tilespmem:s18], [sflag:$0x2] =	stream.linear.gather [hbm4b:s6+s3], $0x3E80, $0x38;
	[tilespmem:$0x1E800] =	vst v63  }
0x17: {  	s25 =	sand.u32 $0xFE00, s3;
	s26 =	sand.u32 $0x70, s3;
	_ =	swait.ge [sflag:s17], $0x3E80  }
0x18: {  	s28 =	sshrl.u32 s25, $0x2;
	s25 =	simm.s32 $0x40;
	[sflag:s17] =	ssyncset.done $0x0  }
0x19: {  	s28 =	sor.u32 s26, s28;
	s26 =	simm.s32 $0x0;
	[sflag:s17] =	ssyncadd.s32 $0xFFFFC180  }
.LBB2_2:
0x1a: {  	p0 =	sne.s32 s25, $0x9FC0  }
0x1b: {  	[tilespmem:s28+$0x8000] =	vst v0;
	s26 =	sadd.s32 $0x10, s26;
	s28 =	smov.u32 s25;
	s25 =	sadd.s32 $0x40, s25  }
.Ltmp0:
0x1c: {  	(pc) =	sbr.rel @p0 .LBB2_2-.Ltmp0, $4  }
0x1d: {  	_ = 	snop  }
0x1e: {  	s28 =	sand.u32 $0xFE00, s28  }
0x1f: {  	s29 =	sand.u32 $0x70, s26;
	s28 =	sshrl.u32 s28, $0x2  }
0x20: {  	s28 =	sor.u32 s29, s28  }
0x21: {  	[tilespmem:s28+$0x8000] =	vst v0  }
0x22: {  	[spmem:s7] =	stream.linear.scatter [tilespmem:s19], [sflag:$0x2], $0x2800, $0x38;
	[tilespmem:$0x1E800] =	vst v63  }
0x23: {  	_ =	swait.ge [sflag:s17], $0x2800  }
0x24: {  	[sflag:s17] =	ssyncset.done $0x0  }
0x25: {  	[sflag:s17] =	ssyncadd.s32 $0xFFFFD800  }
0x26: {  	[spmem:s10] =	stream.linear.scatter [tilespmem:s19], [sflag:$0x2], $0x2800, $0x38;
	[tilespmem:$0x1E800] =	vst v63  }
0x27: {  	_ =	swait.ge [sflag:s17], $0x2800  }
0x28: {  	[sflag:s17] =	ssyncset.done $0x0  }
0x29: {  	[sflag:s17] =	ssyncadd.s32 $0xFFFFD800  }
0x2a: {  	[spmem:s11] =	stream.linear.scatter [tilespmem:s19], [sflag:$0x2], $0x2800, $0x38;
	[tilespmem:$0x1E800] =	vst v63  }
0x2b: {  	_ =	swait.ge [sflag:s17], $0x2800  }
0x2c: {  	[sflag:s17] =	ssyncset.done $0x0  }
0x2d: {  	[sflag:s17] =	ssyncadd.s32 $0xFFFFD800  }
0x2e: {  	[spmem:s12] =	stream.linear.scatter [tilespmem:s19], [sflag:$0x2], $0x2800, $0x38;
	[tilespmem:$0x1E800] =	vst v63  }
0x2f: {  	_ =	swait.ge [sflag:s17], $0x2800  }
0x30: {  	[sflag:s17] =	ssyncset.done $0x0  }
0x31: {  	[sflag:s17] =	ssyncadd.s32 $0xFFFFD800  }
0x32: {  	[spmem:s13] =	stream.linear.scatter [tilespmem:s19], [sflag:$0x2], $0x2800, $0x38;
	[tilespmem:$0x1E800] =	vst v63  }
0x33: {  	_ =	swait.ge [sflag:s17], $0x2800  }
0x34: {  	[sflag:s17] =	ssyncset.done $0x0  }
0x35: {  	[sflag:s17] =	ssyncadd.s32 $0xFFFFD800  }
0x36: {  	[spmem:s14] =	stream.linear.scatter [tilespmem:s19], [sflag:$0x2], $0x2800, $0x38;
	[tilespmem:$0x1E800] =	vst v63  }
0x37: {  	_ =	swait.ge [sflag:s17], $0x2800  }
0x38: {  	[sflag:s17] =	ssyncset.done $0x0  }
0x39: {  	[sflag:s17] =	ssyncadd.s32 $0xFFFFD800  }
0x3a: {  	[spmem:s15] =	stream.linear.scatter [tilespmem:s19], [sflag:$0x2], $0x2800, $0x38;
	[tilespmem:$0x1E800] =	vst v63  }
0x3b: {  	_ =	swait.ge [sflag:s17], $0x2800  }
0x3c: {  	[sflag:s17] =	ssyncset.done $0x0  }
0x3d: {  	[sflag:s17] =	ssyncadd.s32 $0xFFFFD800  }
0x3e: {  	[spmem:s16] =	stream.linear.scatter [tilespmem:s19], [sflag:$0x2], $0x2800, $0x38;
	[tilespmem:$0x1E800] =	vst v63  }
0x3f: {  	_ =	swait.ge [sflag:s17], $0x2800  }
0x40: {  	[sflag:s17] =	ssyncset.done $0x0  }
0x41: {  	[sflag:s17] =	ssyncadd.s32 $0xFFFFD800  }
0x42: {  	s25 =	simm.s32 $0x0;
	[bflag:$0x0] =	sbarrier.arrive $0xFFFF  }
0x43: {  	[tilespmem:s19], [sflag:$0x1] =	stream.indirect.gather [hbm4b:s4+s20], $0x80, s25, s20, $0xb8;
	[tilespmem:$0x1E800] =	vst v63  }
0x44: {  	_ =	swait.ge [sflag:s21], $0x2800  }
0x45: {  	[sflag:s21] =	ssyncset.done $0x0  }
0x46: {  	s31 =	simm.s32 $0x4000;
	[sflag:s21] =	ssyncadd.s32 $0xFFFFD800  }
0x47: {  	[spmem:s1] =	stream.indirect.scatter.add.f32 [tilespmem:s19], [sflag:$0x2], $0x80, s31, s20, $0xb8;
	[tilespmem:$0x1E800] =	vst v63  }
0x48: {  	_ =	swait.ge [sflag:s17], $0x2800  }
0x49: {  	s26 =	simm.s32 $0x400;
	s25 =	simm.s32 $0x200;
	[sflag:s17] =	ssyncset.done $0x0  }
.LBB2_4:
0x4a: {  	s28 =	sshra.s32 s25, $0x2  }
0x4b: {  	[sflag:s17] =	ssyncadd.s32 $0xFFFFD800;
	s25 =	smov.u32 s26;
	s29 =	sadd.s32 $0x200, s26  }
0x4c: {  	[tilespmem:s19], [sflag:$0x1] =	stream.indirect.gather [hbm4b:s4+s20], $0x80, s28, s20, $0xb8;
	[tilespmem:$0x1E800] =	vst v63  }
0x4d: {  	p0 =	sne.s32 s26, $0xF800;
	_ =	swait.ge [sflag:s21], $0x2800  }
.Ltmp1:
0x4e: {  	[sflag:s21] =	ssyncset.done $0x0;
	(pc) =	sbr.rel @p0 .LBB2_4-.Ltmp1, $4  }
0x4f: {  	s26 =	sadd.s32 $0x4000, s28;
	[sflag:s21] =	ssyncadd.s32 $0xFFFFD800  }
0x50: {  	[spmem:s1] =	stream.indirect.scatter.add.f32 [tilespmem:s19], [sflag:$0x2], $0x80, s26, s20, $0xb8;
	[tilespmem:$0x1E800] =	vst v63  }
0x51: {  	_ =	swait.ge [sflag:s17], $0x2800  }
0x52: {  	s26 =	smov.u32 s29;
	[sflag:s17] =	ssyncset.done $0x0  }
0x53: {  	s25 =	sshra.s32 s25, $0x2;
	[sflag:s17] =	ssyncadd.s32 $0xFFFFD800  }
0x54: {  	[tilespmem:s19], [sflag:$0x1] =	stream.indirect.gather [hbm4b:s4+s20], $0x80, s25, s20, $0xb8;
	[tilespmem:$0x1E800] =	vst v63  }
0x55: {  	_ =	swait.ge [sflag:s21], $0x2800  }
0x56: {  	[sflag:s21] =	ssyncset.done $0x0  }
0x57: {  	s25 =	sadd.s32 $0x4000, s25;
	[sflag:s21] =	ssyncadd.s32 $0xFFFFD800  }
0x58: {  	[spmem:s1] =	stream.indirect.scatter.add.f32 [tilespmem:s19], [sflag:$0x2], $0x80, s25, s20, $0xb8;
	[tilespmem:$0x1E800] =	vst v63  }
0x59: {  	_ =	swait.ge [sflag:s17], $0x2800  }
0x5a: {  	s24 =	sadd.s32 $0x1, s24;
	[sflag:s17] =	ssyncset.done $0x0  }
0x5b: {  	p0 =	sne.s32 s24, s9;
	[sflag:s17] =	ssyncadd.s32 $0xFFFFD800  }
.Ltmp2:
0x5c: {  	[bflag:$0x0] =	sbarrier.arrive $0xFFFF;
	(pc) =	sbr.rel @p0 .LBB2_1-.Ltmp2, $4  }
0x5d: {  	[hbm:s8], [sflag:s22] =	dma.local [spmem:s23], $0x2800  }
0x5e: {  	_ =	swait.ge [sflag:s17], $0x2800  }
0x5f: {  	[sflag:s17] =	ssyncset.done $0x0  }
0x60: {  	[sflag:s17] =	ssyncadd.s32 $0xFFFFD800  }
0x61: {  	_ =	sfence.sel $0x180000  }
0x62: {  	[bflag:$0x0] =	sbarrier.arrive $0xFFFF  }
0x63: {  	p0 =	sne.s32 s2, $0x0;
	_ =	strace $0x9000004A  }
0x64: {  	s0 =	sadd.s32 @!p0 $0x100000, s0;
	[bflag:$0x2] =	sbarrier.arrive $0xFFFF  }
0x65: {  	[sflag:s0] =	ssyncadd.tile.s32 @!p0 $0x1;
	_ =	shalt  }
.Lfunc_end2:
_tile_overlayer_lowered:
.L_overlay_start_2:
0x66: {  	(tag) =	ssettag $0x2  }
0x67: {  	s0 =	rddreg [dreg:$0x0];
	s2 =	stileid.u32  }
0x68: {  	s1 =	rddreg [dreg:$0x1];
	p0 =	sne.s32 s2, $0x0  }
0x69: {  	s3 =	rddreg [dreg:$0x2];
	[bflag:$0x3] =	sbarrier.arrive $0xFFFF;
	s2 =	simm.s32 @!p0 $0x1C02  }
0x6a: {  	[timem:s3], [sflag:s2] =	dma.local @!p0 [hbm:s0], s1  }
0x6b: {  	s0 =	simm.s32 @!p0 $0x2  }
0x6c: {  	_ =	swait.ge @!p0 [sflag:s0], s1  }
0x6d: {  	s1 =	ssub.s32 @!p0 $0x0, s1;
	[sflag:s0] =	ssyncset.done @!p0 $0x0  }
0x6e: {  	[sflag:s0] =	ssyncadd.s32 @!p0 s1  }
0x6f: {  	[bflag:$0x3] =	sbarrier.arrive $0xFFFF  }
0x70: {  	_ =	shalt  }

// kernel: kernel.16.cloned.1.call-start
scs
__scs_entry_jumppad:
0x0: {  	(pc) =	sbr.rel $0x88, $3  }
0x1: {  	(tag) =	ssettag $0x0;
	lr =	simm.s32 $0x1  }
0x2: {  	[smem:$0x3F95] =	sst lr;
	_ =	strace $0xD0000000  }
0x3: {  	_ = 	snop  }
0x4: {  	_ = 	snop  }
0x5: {  	_ = 	snop  }
0x6: {  	_ = 	snop  }
0x7: {  	_ = 	snop  }
__scs_overlays_trampoline_lowered:
0x8: {  	[smem:$0x3FA4] =	sst s0  }
0x9: {  	[smem:$0x3FA5] =	sst s1  }
0xa: {  	[smem:$0x3FA6] =	sst s2  }
0xb: {  	[smem:$0x3FA7] =	sst s3  }
0xc: {  	[smem:$0x3FA8] =	sst s4  }
0xd: {  	[smem:$0x3FA9] =	sst s5  }
0xe: {  	[smem:$0x3FAA] =	sst s6  }
0xf: {  	[smem:$0x3FAB] =	sst s7  }
0x10: {  	[smem:$0x3FAC] =	sst s8  }
0x11: {  	[smem:$0x3FAD] =	sst s9;
	s0 =	simm.s32 @!p0 $0x0  }
0x12: {  	s1 =	sld [smem:$0x3F93];
	s0 =	simm.s32 @p0 $0x1  }
0x13: {  	[smem:$0x3FAE] =	sst s0;
	s0 =	simm.s32 @!p1 $0x0  }
0x14: {  	s2 =	sld [smem:$0x3F92];
	s0 =	simm.s32 @p1 $0x1  }
0x15: {  	[smem:$0x3FAF] =	sst s0;
	s0 =	simm.s32 @!p2 $0x0  }
0x16: {  	s3 =	sld [smem:$0x3FDB];
	s0 =	simm.s32 @p2 $0x1  }
0x17: {  	s4 =	simm.s32 $0x1BF5;
	[smem:$0x3FB1] =	sst s0  }
0x18: {  	s0 =	sld [smem:$0x3F94];
	_ =	swait.ge [sflag:s4], $0x0  }
0x19: {  	s7 =	sld [smem:$0x3F95]  }
0x1a: {  	s8 =	sadd.s32 $0xFFFFE003, lr  }
0x1b: {  	s9 =	sadd.s32 $0xFFFFFEF7, lr;
	s5 =	simm.s32 $0xFFFFFFFF;
	p2 =	slt.u32 s8, $0xFFFFF086  }
0x1c: {  	p1 =	slt.u32 s9, $0xF7A;
	s5 =	simm.s32 @!p2 $0x0  }
0x1d: {  	s5 =	simm.s32 @p1 $0x1;
	p0 =	seq.s32 s7, s2  }
0x1e: {  	s7 =	smul.u32 @!p0 $0xF7A, s2;
	p2 =	seq.s32 @!p0 s5, $0x0  }
0x1f: {  	s9 =	smul.u32 $0xF7A, s1;
	s8 =	simm.s32 @!p0 $0x1BF5;
	p2 =	por !p2, p0  }
0x20: {  	[sflag:s8] =	ssyncset.s32 @!p0 $0xFFFFF086;
	s6 =	sadd.s32 @!p0 s3, s7;
	s7 =	simm.s32 @!p0 $0x108  }
0x21: {  	s3 =	sadd.s32 s3, s9;
	s6 =	sadd.s32 @!p0 $0x88, s6;
	s7 =	simm.s32 @p2 $0x1082  }
0x22: {  	[simem:s7], [sflag:s8] =	dma.local @!p0 [hbm:s6], $0xF7A  }
0x23: {  	s9 =	sor.u32 $0xD0000000, s2;
	s6 =	simm.s32 $0x108;
	_ =	swait.ge @!p0 [sflag:s8], $0x0  }
0x24: {  	s3 =	sadd.s32 $0x88, s3;
	s6 =	simm.s32 @!p1 $0x1082;
	[sflag:s4] =	ssyncset.s32 $0xFFFFF086  }
0x25: {  	[simem:s6], [sflag:s4] =	dma.local [hbm:s3], $0xF7A  }
0x26: {  	[smem:$0x3F95] =	sst s1;
	(tag) =	ssettag s2;
	_ =	strace s9  }
0x27: {  	s1 =	sld [smem:$0x3FA5]  }
0x28: {  	s2 =	sld [smem:$0x3FA6]  }
0x29: {  	s4 =	sld [smem:$0x3FA8]  }
0x2a: {  	p0 =	seq.s32 s5, $0x0;
	s5 =	sld [smem:$0x3FA9]  }
0x2b: {  	s6 =	sld [smem:$0x3FAA]  }
0x2c: {  	s7 =	sld [smem:$0x3FAB]  }
0x2d: {  	s3 =	simm.s32 $0x108;
	s8 =	sld [smem:$0x3FAC]  }
0x2e: {  	s3 =	simm.s32 @!p0 $0x1082;
	s9 =	sld [smem:$0x3FAD]  }
0x2f: {  	lr =	sadd.s32 s0, s3;
	s0 =	sld [smem:$0x3FA4]  }
0x30: {  	s3 =	sld [smem:$0x3FA7]  }
0x31: {  	[smem:$0x3FB0] =	sst s10  }
0x32: {  	s10 =	sld [smem:$0x3FAE];
	_ =	sdelay $0x3  }
0x33: {  	p0 =	seq.s32 s10, $0x1;
	s10 =	sld [smem:$0x3FB0];
	_ =	sdelay $0x3  }
0x34: {  	[smem:$0x3FB0] =	sst s10  }
0x35: {  	s10 =	sld [smem:$0x3FAF];
	_ =	sdelay $0x3  }
0x36: {  	p1 =	seq.s32 s10, $0x1;
	s10 =	sld [smem:$0x3FB0];
	_ =	sdelay $0x3  }
0x37: {  	[smem:$0x3FB0] =	sst s10  }
0x38: {  	s10 =	sld [smem:$0x3FB1]  }
0x39: {  	_ = 	snop;
	(pc) =	sbr.ind lr, $3  }
0x3a: {  	_ = 	snop  }
0x3b: {  	_ = 	snop  }
0x3c: {  	p2 =	seq.s32 s10, $0x1;
	s10 =	sld [smem:$0x3FB0]  }
0x3d: {  	_ =	shalt  }
0x3e: {  	_ =	shalt  }
0x3f: {  	_ =	shalt  }
0x40: {  	_ =	shalt  }
0x41: {  	_ =	shalt  }
0x42: {  	_ =	shalt  }
0x43: {  	_ =	shalt  }
0x44: {  	_ =	shalt  }
0x45: {  	_ =	shalt  }
0x46: {  	_ =	shalt  }
0x47: {  	_ =	shalt  }
0x48: {  	_ =	shalt  }
0x49: {  	_ =	shalt  }
0x4a: {  	_ =	shalt  }
0x4b: {  	_ =	shalt  }
0x4c: {  	_ =	shalt  }
0x4d: {  	_ =	shalt  }
0x4e: {  	_ =	shalt  }
0x4f: {  	_ =	shalt  }
0x50: {  	_ =	shalt  }
0x51: {  	_ =	shalt  }
0x52: {  	_ =	shalt  }
0x53: {  	_ =	shalt  }
0x54: {  	_ =	shalt  }
0x55: {  	_ =	shalt  }
0x56: {  	_ =	shalt  }
0x57: {  	_ =	shalt  }
0x58: {  	_ =	shalt  }
0x59: {  	_ =	shalt  }
0x5a: {  	_ =	shalt  }
0x5b: {  	_ =	shalt  }
0x5c: {  	_ =	shalt  }
0x5d: {  	_ =	shalt  }
0x5e: {  	_ =	shalt  }
0x5f: {  	_ =	shalt  }
0x60: {  	_ =	shalt  }
0x61: {  	_ =	shalt  }
0x62: {  	_ =	shalt  }
0x63: {  	_ =	shalt  }
0x64: {  	_ =	shalt  }
0x65: {  	_ =	shalt  }
0x66: {  	_ =	shalt  }
0x67: {  	_ =	shalt  }
0x68: {  	_ =	shalt  }
0x69: {  	_ =	shalt  }
0x6a: {  	_ =	shalt  }
0x6b: {  	_ =	shalt  }
0x6c: {  	_ =	shalt  }
0x6d: {  	_ =	shalt  }
0x6e: {  	_ =	shalt  }
0x6f: {  	_ =	shalt  }
0x70: {  	_ =	shalt  }
0x71: {  	_ =	shalt  }
0x72: {  	_ =	shalt  }
0x73: {  	_ =	shalt  }
0x74: {  	_ =	shalt  }
0x75: {  	_ =	shalt  }
0x76: {  	_ =	shalt  }
0x77: {  	_ =	shalt  }
0x78: {  	_ =	shalt  }
0x79: {  	_ =	shalt  }
0x7a: {  	_ =	shalt  }
0x7b: {  	_ =	shalt  }
0x7c: {  	_ =	shalt  }
0x7d: {  	_ =	shalt  }
0x7e: {  	_ =	shalt  }
0x7f: {  	_ =	shalt  }
0x80: {  	_ =	shalt  }
0x81: {  	_ =	shalt  }
0x82: {  	_ =	shalt  }
0x83: {  	_ =	shalt  }
0x84: {  	_ =	shalt  }
0x85: {  	_ =	shalt  }
0x86: {  	_ =	shalt  }
0x87: {  	_ =	shalt  }
.Lfunc_end0:
.L_simem_size_0:
called_computation.2_lowered:
.L_overlay_start_0:
0x88: {  	s2 =	sld [smem:$0x3FD9]  }
0x89: {  	s3 =	sld [smem:$0x3FFE];
	_ =	sdelay $0x1  }
0x8a: {  	s1 =	srdreg.scid  }
0x8b: {  	s0 =	sand.u32 $0x1, s1  }
0x8c: {  	s16 =	sshll.u32 s0, $0xA;
	s2 =	sadd.s32 s3, s2  }
0x8d: {  	s2 =	sadd.s32 s2, s16  }
0x8e: {  	[smem:$0x3FBC] =	sst s2  }
0x8f: {  	_ = 	snop  }
0x90: {  	(tm) =	ssettm $0x1  }
0x91: {  	s17 =	sld [smem:$0x3FFB];
	_ =	sdelay $0x3  }
0x92: {  	_ =	strace s17  }
0x93: {  	s2 =	sld [smem:$0x3FFC];
	_ =	sdelay $0x3  }
0x94: {  	_ =	strace s2  }
0x95: {  	s2 =	sld [smem:$0x3FFD];
	_ =	sdelay $0x3  }
0x96: {  	_ =	strace s2  }
0x97: {  	_ =	strace $0x8FFFFFFF  }
0x98: {  	s18 =	sld [smem:$0x3FDB];
	_ =	sdelay $0x1  }
0x99: {  	s19 =	simm.s32 $_scs_section_size  }
0x9a: {  	s4 =	simm.s32 $_size__tile_overlayer_lowered;
	s5 =	simm.s32 $_tile_overlayer_lowered  }
0x9b: {  	s22 =	simm.s32 $0x1BFF;
	s21 =	sshll.u32 s5, $0x1;
	s2 =	sadd.s32 s19, s18  }
0x9c: {  	s6 =	simm.s32 $0x0;
	s20 =	sshll.u32 s4, $0x1;
	s4 =	sadd.s32 s21, s2  }
0x9d: {  	[timem:s6], [sflag:s22] =	dma.local [hbm:s4], s20  }
0x9e: {  	_ =	swait.ge [sflag:s22], s20  }
0x9f: {  	s3 =	ssub.s32 $0x0, s20;
	[sflag:s22] =	ssyncset.done $0x0  }
0xa0: {  	[sflag:s22] =	ssyncadd.s32 s3;
	_ =	sdelay $0x1  }
0xa1: {  	s23 =	simm.s32 $0x1B8B  }
0xa2: {  	_ =	swait.ge [sflag:s23], $0x1  }
0xa3: {  	[sflag:s23] =	ssyncset.done $0x0  }
0xa4: {  	s25 =	simm.s32 $0x1B8E;
	s24 =	sld [smem:$0x3FFE];
	[sflag:s23] =	ssyncadd.s32 $0xFFFFFFFF  }
0xa5: {  	s26 =	simm.s32 $execute0_lowered;
	[smem:$0x3FD2] =	sst s25  }
0xa6: {  	s4 =	sshll.u32 s26, $0x1;
	_ =	strace $0x8000004C;
	[dreg:$0x1] =	wrdreg $0xFFFFFFFF  }
0xa7: {  	s28 =	simm.s32 $_size_execute0_lowered;
	s2 =	sadd.s32 s2, s4;
	[dreg:$0x0] =	wrdreg $0x0  }
0xa8: {  	s4 =	sshll.u32 s28, $0x1;
	[dreg:$0x2] =	wrdreg s2  }
0xa9: {  	[dreg:$0x3] =	wrdreg s4  }
0xaa: {  	[dreg:$0x4] =	wrdreg $0xC0  }
0xab: {  	_ =	task [dreg:s6], $0x5FFFF  }
0xac: {  	[dreg:$0x1] =	wrdreg $0xFFFFFFFF  }
0xad: {  	[dreg:$0x0] =	wrdreg $0x60  }
0xae: {  	[dreg:$0x2] =	wrdreg s24  }
0xaf: {  	[dreg:$0x3] =	wrdreg $0xA8000  }
0xb0: {  	[dreg:$0x4] =	wrdreg $0x9  }
0xb1: {  	_ =	task.clear_ibuf [dreg:s6], $0x5FFFF;
	_ =	strace $0x9000004C  }
0xb2: {  	s29 =	simm.s32 $0x9;
	_ =	strace $0x8000004E  }
0xb3: {  	_ =	swait.ge [sflag:s29], $0x1  }
0xb4: {  	[sflag:s29] =	ssyncadd.s32 $0xFFFFFFFF  }
0xb5: {  	_ =	strace $0x9000004E  }
0xb6: {  	_ =	sfence  }
0xb7: {  	s30 =	sld [smem:$0x0];
	_ =	sdelay $0x2  }
0xb8: {  	s31 =	sshll.u32 s1, $0xD;
	s1 =	sshrl.u32 s1, $0x2  }
0xb9: {  	s3 =	sand.u32 $0x4000, s31;
	s1 =	sadd.s32 s1, s30  }
0xba: {  	s0 =	sor.u32 s3, s0;
	s1 =	sshll.u32 s1, $0x11  }
0xbb: {  	s0 =	sor.u32 s1, s0  }
0xbc: {  	s0 =	sadd.s32 $0x8F2B, s0  }
0xbd: {  	[sflag:s0] =	ssyncadd.remote.s32 $0x1  }
0xbe: {  	_ =	sfence.sel $0xFFFF  }
0xbf: {  	[dreg:$0x0] =	wrdreg $0xFFFFFFFF;
	(pc) =	sbr.abs _section_cstart, $3  }
0xc0: {  	[dreg:$0x1] =	wrdreg $0xFFFFFFFF  }
0xc1: {  	_ =	task.clear_ibuf [dreg:s6], $0x2FFFF;
	_ =	strace $0x9FFFFFFF  }
0xc2: {  	(tm) =	ssettm $0x7FFFFFFF  }
0xc3: {  	_ =	shalt  }
tec
execute0_lowered:
.L_overlay_start_1:
0x0: {  	(tag) =	ssettag $0x1  }
0x1: {  	s5 =	rddreg [dreg:$0x0]  }
0x2: {  	s1 =	rddreg [dreg:$0x1]  }
0x3: {  	s0 =	rddreg [dreg:$0x2]  }
0x4: {  	s3 =	simm.s32 $0x0;
	s2 =	srdreg.scid;
	s17 =	simm.s32 $0x2  }
0x5: {  	s18 =	simm.s32 $0x4000;
	s19 =	simm.s32 $0x8000;
	s20 =	simm.s32 $0x50  }
0x6: {  	s21 =	simm.s32 $0x1;
	s24 =	simm.s32 $0x0;
	[smem:$0x7FF] =	sst s3  }
0x7: {  	s6 =	sand.u32 $0x1, s2;
	s2 =	stileid.u32;
	s4 =	sadd.s32 $0x73600, s5  }
0x8: {  	s7 =	smul.u32 $0x140000, s6;
	s8 =	sshll.u32 s6, $0xF;
	s9 =	sshll.u32 s2, $0xB  }
0x9: {  	s10 =	smul.u32 $0x14000, s2;
	_ =	strace $0x8000004D;
	s6 =	ssub.s32 $0x2, s6  }
0xa: {  	s29 =	smul.u32 $0x50000, s2;
	s22 =	sshll.u32 s2, $0x6;
	s8 =	sor.u32 s9, s8  }
0xb: {  	s30 =	sshrl.u32 s6, $0x1;
	s22 =	sor.u32 $0x1C02, s22;
	s7 =	sadd.s32 s10, s7  }
0xc: {  	s8 =	sadd.s32 s8, s5;
	s10 =	ssub.s32 s6, s30;
	s31 =	sshrl.u32 s29, $0x2  }
0xd: {  	s7 =	sshrl.u32 s7, $0x3;
	s6 =	sadd.s32 $0x3600, s8;
	s9 =	smax.u32 s10, $0x1  }
0xe: {  	s11 =	sadd.s32 s7, s5;
	s5 =	sadd.s32 $0x63600, s8;
	s7 =	sadd.s32 s31, s1  }
0xf: {  	s8 =	sadd.s32 $0x9A800, s11;
	s10 =	sadd.s32 $0x2800, s7;
	s11 =	sadd.s32 $0x5000, s7  }
0x10: {  	s12 =	sadd.s32 $0x7800, s7;
	s13 =	sadd.s32 $0xA000, s7;
	s14 =	sadd.s32 $0xC800, s7  }
0x11: {  	v0 =	vimm.f32 $0.0e+00;
	s15 =	sadd.s32 $0xF000, s7;
	s16 =	sadd.s32 $0x11800, s7;
	s23 =	sshrl.u32 s7, $0x3  }
.LBB2_1:
0x12: {  	[tilespmem:s3], [sflag:$0x2] =	stream.linear.gather [hbm4b:s5+s3], $0x3E80, $0x38;
	[tilespmem:$0x1E800] =	vst v63  }
0x13: {  	_ =	swait.ge [sflag:s17], $0x3E80  }
0x14: {  	[sflag:s17] =	ssyncset.done $0x0  }
0x15: {  	[sflag:s17] =	ssyncadd.s32 $0xFFFFC180  }
0x16: {  	[tilespmem:s18], [sflag:$0x2] =	stream.linear.gather [hbm4b:s6+s3], $0x3E80, $0x38;
	[tilespmem:$0x1E800] =	vst v63  }
0x17: {  	s25 =	sand.u32 $0xFE00, s3;
	s26 =	sand.u32 $0x70, s3;
	_ =	swait.ge [sflag:s17], $0x3E80  }
0x18: {  	s28 =	sshrl.u32 s25, $0x2;
	s25 =	simm.s32 $0x40;
	[sflag:s17] =	ssyncset.done $0x0  }
0x19: {  	s28 =	sor.u32 s26, s28;
	s26 =	simm.s32 $0x0;
	[sflag:s17] =	ssyncadd.s32 $0xFFFFC180  }
.LBB2_2:
0x1a: {  	p0 =	sne.s32 s25, $0x9FC0  }
0x1b: {  	[tilespmem:s28+$0x8000] =	vst v0;
	s26 =	sadd.s32 $0x10, s26;
	s28 =	smov.u32 s25;
	s25 =	sadd.s32 $0x40, s25  }
.Ltmp0:
0x1c: {  	(pc) =	sbr.rel @p0 .LBB2_2-.Ltmp0, $4  }
0x1d: {  	_ = 	snop  }
0x1e: {  	s28 =	sand.u32 $0xFE00, s28  }
0x1f: {  	s29 =	sand.u32 $0x70, s26;
	s28 =	sshrl.u32 s28, $0x2  }
0x20: {  	s28 =	sor.u32 s29, s28  }
0x21: {  	[tilespmem:s28+$0x8000] =	vst v0  }
0x22: {  	[spmem:s7] =	stream.linear.scatter [tilespmem:s19], [sflag:$0x2], $0x2800, $0x38;
	[tilespmem:$0x1E800] =	vst v63  }
0x23: {  	_ =	swait.ge [sflag:s17], $0x2800  }
0x24: {  	[sflag:s17] =	ssyncset.done $0x0  }
0x25: {  	[sflag:s17] =	ssyncadd.s32 $0xFFFFD800  }
0x26: {  	[spmem:s10] =	stream.linear.scatter [tilespmem:s19], [sflag:$0x2], $0x2800, $0x38;
	[tilespmem:$0x1E800] =	vst v63  }
0x27: {  	_ =	swait.ge [sflag:s17], $0x2800  }
0x28: {  	[sflag:s17] =	ssyncset.done $0x0  }
0x29: {  	[sflag:s17] =	ssyncadd.s32 $0xFFFFD800  }
0x2a: {  	[spmem:s11] =	stream.linear.scatter [tilespmem:s19], [sflag:$0x2], $0x2800, $0x38;
	[tilespmem:$0x1E800] =	vst v63  }
0x2b: {  	_ =	swait.ge [sflag:s17], $0x2800  }
0x2c: {  	[sflag:s17] =	ssyncset.done $0x0  }
0x2d: {  	[sflag:s17] =	ssyncadd.s32 $0xFFFFD800  }
0x2e: {  	[spmem:s12] =	stream.linear.scatter [tilespmem:s19], [sflag:$0x2], $0x2800, $0x38;
	[tilespmem:$0x1E800] =	vst v63  }
0x2f: {  	_ =	swait.ge [sflag:s17], $0x2800  }
0x30: {  	[sflag:s17] =	ssyncset.done $0x0  }
0x31: {  	[sflag:s17] =	ssyncadd.s32 $0xFFFFD800  }
0x32: {  	[spmem:s13] =	stream.linear.scatter [tilespmem:s19], [sflag:$0x2], $0x2800, $0x38;
	[tilespmem:$0x1E800] =	vst v63  }
0x33: {  	_ =	swait.ge [sflag:s17], $0x2800  }
0x34: {  	[sflag:s17] =	ssyncset.done $0x0  }
0x35: {  	[sflag:s17] =	ssyncadd.s32 $0xFFFFD800  }
0x36: {  	[spmem:s14] =	stream.linear.scatter [tilespmem:s19], [sflag:$0x2], $0x2800, $0x38;
	[tilespmem:$0x1E800] =	vst v63  }
0x37: {  	_ =	swait.ge [sflag:s17], $0x2800  }
0x38: {  	[sflag:s17] =	ssyncset.done $0x0  }
0x39: {  	[sflag:s17] =	ssyncadd.s32 $0xFFFFD800  }
0x3a: {  	[spmem:s15] =	stream.linear.scatter [tilespmem:s19], [sflag:$0x2], $0x2800, $0x38;
	[tilespmem:$0x1E800] =	vst v63  }
0x3b: {  	_ =	swait.ge [sflag:s17], $0x2800  }
0x3c: {  	[sflag:s17] =	ssyncset.done $0x0  }
0x3d: {  	[sflag:s17] =	ssyncadd.s32 $0xFFFFD800  }
0x3e: {  	[spmem:s16] =	stream.linear.scatter [tilespmem:s19], [sflag:$0x2], $0x2800, $0x38;
	[tilespmem:$0x1E800] =	vst v63  }
0x3f: {  	_ =	swait.ge [sflag:s17], $0x2800  }
0x40: {  	[sflag:s17] =	ssyncset.done $0x0  }
0x41: {  	[sflag:s17] =	ssyncadd.s32 $0xFFFFD800  }
0x42: {  	s25 =	simm.s32 $0x0;
	[bflag:$0x0] =	sbarrier.arrive $0xFFFF  }
0x43: {  	[tilespmem:s19], [sflag:$0x1] =	stream.indirect.gather [hbm4b:s4+s20], $0x80, s25, s20, $0xb8;
	[tilespmem:$0x1E800] =	vst v63  }
0x44: {  	_ =	swait.ge [sflag:s21], $0x2800  }
0x45: {  	[sflag:s21] =	ssyncset.done $0x0  }
0x46: {  	s31 =	simm.s32 $0x4000;
	[sflag:s21] =	ssyncadd.s32 $0xFFFFD800  }
0x47: {  	[spmem:s1] =	stream.indirect.scatter.add.f32 [tilespmem:s19], [sflag:$0x2], $0x80, s31, s20, $0xb8;
	[tilespmem:$0x1E800] =	vst v63  }
0x48: {  	_ =	swait.ge [sflag:s17], $0x2800  }
0x49: {  	s26 =	simm.s32 $0x400;
	s25 =	simm.s32 $0x200;
	[sflag:s17] =	ssyncset.done $0x0  }
.LBB2_4:
0x4a: {  	s28 =	sshra.s32 s25, $0x2  }
0x4b: {  	[sflag:s17] =	ssyncadd.s32 $0xFFFFD800;
	s25 =	smov.u32 s26;
	s29 =	sadd.s32 $0x200, s26  }
0x4c: {  	[tilespmem:s19], [sflag:$0x1] =	stream.indirect.gather [hbm4b:s4+s20], $0x80, s28, s20, $0xb8;
	[tilespmem:$0x1E800] =	vst v63  }
0x4d: {  	p0 =	sne.s32 s26, $0xF800;
	_ =	swait.ge [sflag:s21], $0x2800  }
.Ltmp1:
0x4e: {  	[sflag:s21] =	ssyncset.done $0x0;
	(pc) =	sbr.rel @p0 .LBB2_4-.Ltmp1, $4  }
0x4f: {  	s26 =	sadd.s32 $0x4000, s28;
	[sflag:s21] =	ssyncadd.s32 $0xFFFFD800  }
0x50: {  	[spmem:s1] =	stream.indirect.scatter.add.f32 [tilespmem:s19], [sflag:$0x2], $0x80, s26, s20, $0xb8;
	[tilespmem:$0x1E800] =	vst v63  }
0x51: {  	_ =	swait.ge [sflag:s17], $0x2800  }
0x52: {  	s26 =	smov.u32 s29;
	[sflag:s17] =	ssyncset.done $0x0  }
0x53: {  	s25 =	sshra.s32 s25, $0x2;
	[sflag:s17] =	ssyncadd.s32 $0xFFFFD800  }
0x54: {  	[tilespmem:s19], [sflag:$0x1] =	stream.indirect.gather [hbm4b:s4+s20], $0x80, s25, s20, $0xb8;
	[tilespmem:$0x1E800] =	vst v63  }
0x55: {  	_ =	swait.ge [sflag:s21], $0x2800  }
0x56: {  	[sflag:s21] =	ssyncset.done $0x0  }
0x57: {  	s25 =	sadd.s32 $0x4000, s25;
	[sflag:s21] =	ssyncadd.s32 $0xFFFFD800  }
0x58: {  	[spmem:s1] =	stream.indirect.scatter.add.f32 [tilespmem:s19], [sflag:$0x2], $0x80, s25, s20, $0xb8;
	[tilespmem:$0x1E800] =	vst v63  }
0x59: {  	_ =	swait.ge [sflag:s17], $0x2800  }
0x5a: {  	s24 =	sadd.s32 $0x1, s24;
	[sflag:s17] =	ssyncset.done $0x0  }
0x5b: {  	p0 =	sne.s32 s24, s9;
	[sflag:s17] =	ssyncadd.s32 $0xFFFFD800  }
.Ltmp2:
0x5c: {  	[bflag:$0x0] =	sbarrier.arrive $0xFFFF;
	(pc) =	sbr.rel @p0 .LBB2_1-.Ltmp2, $4  }
0x5d: {  	[hbm:s8], [sflag:s22] =	dma.local [spmem:s23], $0x2800  }
0x5e: {  	_ =	swait.ge [sflag:s17], $0x2800  }
0x5f: {  	[sflag:s17] =	ssyncset.done $0x0  }
0x60: {  	[sflag:s17] =	ssyncadd.s32 $0xFFFFD800  }
0x61: {  	_ =	sfence.sel $0x180000  }
0x62: {  	[bflag:$0x0] =	sbarrier.arrive $0xFFFF  }
0x63: {  	p0 =	sne.s32 s2, $0x0;
	_ =	strace $0x9000004D  }
0x64: {  	s0 =	sadd.s32 @!p0 $0x100000, s0;
	[bflag:$0x2] =	sbarrier.arrive $0xFFFF  }
0x65: {  	[sflag:s0] =	ssyncadd.tile.s32 @!p0 $0x1;
	_ =	shalt  }
.Lfunc_end2:
_tile_overlayer_lowered:
.L_overlay_start_2:
0x66: {  	(tag) =	ssettag $0x2  }
0x67: {  	s0 =	rddreg [dreg:$0x0];
	s2 =	stileid.u32  }
0x68: {  	s1 =	rddreg [dreg:$0x1];
	p0 =	sne.s32 s2, $0x0  }
0x69: {  	s3 =	rddreg [dreg:$0x2];
	[bflag:$0x3] =	sbarrier.arrive $0xFFFF;
	s2 =	simm.s32 @!p0 $0x1C02  }
0x6a: {  	[timem:s3], [sflag:s2] =	dma.local @!p0 [hbm:s0], s1  }
0x6b: {  	s0 =	simm.s32 @!p0 $0x2  }
0x6c: {  	_ =	swait.ge @!p0 [sflag:s0], s1  }
0x6d: {  	s1 =	ssub.s32 @!p0 $0x0, s1;
	[sflag:s0] =	ssyncset.done @!p0 $0x0  }
0x6e: {  	[sflag:s0] =	ssyncadd.s32 @!p0 s1  }
0x6f: {  	[bflag:$0x3] =	sbarrier.arrive $0xFFFF  }
0x70: {  	_ =	shalt  }

// kernel: kernel.19.cloned.1.call-start
scs
__scs_entry_jumppad:
0x0: {  	(pc) =	sbr.rel $0x88, $3  }
0x1: {  	(tag) =	ssettag $0x0;
	lr =	simm.s32 $0x1  }
0x2: {  	[smem:$0x3F95] =	sst lr;
	_ =	strace $0xD0000000  }
0x3: {  	_ = 	snop  }
0x4: {  	_ = 	snop  }
0x5: {  	_ = 	snop  }
0x6: {  	_ = 	snop  }
0x7: {  	_ = 	snop  }
__scs_overlays_trampoline_lowered:
0x8: {  	[smem:$0x3FA4] =	sst s0  }
0x9: {  	[smem:$0x3FA5] =	sst s1  }
0xa: {  	[smem:$0x3FA6] =	sst s2  }
0xb: {  	[smem:$0x3FA7] =	sst s3  }
0xc: {  	[smem:$0x3FA8] =	sst s4  }
0xd: {  	[smem:$0x3FA9] =	sst s5  }
0xe: {  	[smem:$0x3FAA] =	sst s6  }
0xf: {  	[smem:$0x3FAB] =	sst s7  }
0x10: {  	[smem:$0x3FAC] =	sst s8  }
0x11: {  	[smem:$0x3FAD] =	sst s9;
	s0 =	simm.s32 @!p0 $0x0  }
0x12: {  	s1 =	sld [smem:$0x3F93];
	s0 =	simm.s32 @p0 $0x1  }
0x13: {  	[smem:$0x3FAE] =	sst s0;
	s0 =	simm.s32 @!p1 $0x0  }
0x14: {  	s2 =	sld [smem:$0x3F92];
	s0 =	simm.s32 @p1 $0x1  }
0x15: {  	[smem:$0x3FAF] =	sst s0;
	s0 =	simm.s32 @!p2 $0x0  }
0x16: {  	s3 =	sld [smem:$0x3FDB];
	s0 =	simm.s32 @p2 $0x1  }
0x17: {  	s4 =	simm.s32 $0x1BF5;
	[smem:$0x3FB1] =	sst s0  }
0x18: {  	s0 =	sld [smem:$0x3F94];
	_ =	swait.ge [sflag:s4], $0x0  }
0x19: {  	s7 =	sld [smem:$0x3F95]  }
0x1a: {  	s8 =	sadd.s32 $0xFFFFE003, lr  }
0x1b: {  	s9 =	sadd.s32 $0xFFFFFEF7, lr;
	s5 =	simm.s32 $0xFFFFFFFF;
	p2 =	slt.u32 s8, $0xFFFFF086  }
0x1c: {  	p1 =	slt.u32 s9, $0xF7A;
	s5 =	simm.s32 @!p2 $0x0  }
0x1d: {  	s5 =	simm.s32 @p1 $0x1;
	p0 =	seq.s32 s7, s2  }
0x1e: {  	s7 =	smul.u32 @!p0 $0xF7A, s2;
	p2 =	seq.s32 @!p0 s5, $0x0  }
0x1f: {  	s9 =	smul.u32 $0xF7A, s1;
	s8 =	simm.s32 @!p0 $0x1BF5;
	p2 =	por !p2, p0  }
0x20: {  	[sflag:s8] =	ssyncset.s32 @!p0 $0xFFFFF086;
	s6 =	sadd.s32 @!p0 s3, s7;
	s7 =	simm.s32 @!p0 $0x108  }
0x21: {  	s3 =	sadd.s32 s3, s9;
	s6 =	sadd.s32 @!p0 $0x88, s6;
	s7 =	simm.s32 @p2 $0x1082  }
0x22: {  	[simem:s7], [sflag:s8] =	dma.local @!p0 [hbm:s6], $0xF7A  }
0x23: {  	s9 =	sor.u32 $0xD0000000, s2;
	s6 =	simm.s32 $0x108;
	_ =	swait.ge @!p0 [sflag:s8], $0x0  }
0x24: {  	s3 =	sadd.s32 $0x88, s3;
	s6 =	simm.s32 @!p1 $0x1082;
	[sflag:s4] =	ssyncset.s32 $0xFFFFF086  }
0x25: {  	[simem:s6], [sflag:s4] =	dma.local [hbm:s3], $0xF7A  }
0x26: {  	[smem:$0x3F95] =	sst s1;
	(tag) =	ssettag s2;
	_ =	strace s9  }
0x27: {  	s1 =	sld [smem:$0x3FA5]  }
0x28: {  	s2 =	sld [smem:$0x3FA6]  }
0x29: {  	s4 =	sld [smem:$0x3FA8]  }
0x2a: {  	p0 =	seq.s32 s5, $0x0;
	s5 =	sld [smem:$0x3FA9]  }
0x2b: {  	s6 =	sld [smem:$0x3FAA]  }
0x2c: {  	s7 =	sld [smem:$0x3FAB]  }
0x2d: {  	s3 =	simm.s32 $0x108;
	s8 =	sld [smem:$0x3FAC]  }
0x2e: {  	s3 =	simm.s32 @!p0 $0x1082;
	s9 =	sld [smem:$0x3FAD]  }
0x2f: {  	lr =	sadd.s32 s0, s3;
	s0 =	sld [smem:$0x3FA4]  }
0x30: {  	s3 =	sld [smem:$0x3FA7]  }
0x31: {  	[smem:$0x3FB0] =	sst s10  }
0x32: {  	s10 =	sld [smem:$0x3FAE];
	_ =	sdelay $0x3  }
0x33: {  	p0 =	seq.s32 s10, $0x1;
	s10 =	sld [smem:$0x3FB0];
	_ =	sdelay $0x3  }
0x34: {  	[smem:$0x3FB0] =	sst s10  }
0x35: {  	s10 =	sld [smem:$0x3FAF];
	_ =	sdelay $0x3  }
0x36: {  	p1 =	seq.s32 s10, $0x1;
	s10 =	sld [smem:$0x3FB0];
	_ =	sdelay $0x3  }
0x37: {  	[smem:$0x3FB0] =	sst s10  }
0x38: {  	s10 =	sld [smem:$0x3FB1]  }
0x39: {  	_ = 	snop;
	(pc) =	sbr.ind lr, $3  }
0x3a: {  	_ = 	snop  }
0x3b: {  	_ = 	snop  }
0x3c: {  	p2 =	seq.s32 s10, $0x1;
	s10 =	sld [smem:$0x3FB0]  }
0x3d: {  	_ =	shalt  }
0x3e: {  	_ =	shalt  }
0x3f: {  	_ =	shalt  }
0x40: {  	_ =	shalt  }
0x41: {  	_ =	shalt  }
0x42: {  	_ =	shalt  }
0x43: {  	_ =	shalt  }
0x44: {  	_ =	shalt  }
0x45: {  	_ =	shalt  }
0x46: {  	_ =	shalt  }
0x47: {  	_ =	shalt  }
0x48: {  	_ =	shalt  }
0x49: {  	_ =	shalt  }
0x4a: {  	_ =	shalt  }
0x4b: {  	_ =	shalt  }
0x4c: {  	_ =	shalt  }
0x4d: {  	_ =	shalt  }
0x4e: {  	_ =	shalt  }
0x4f: {  	_ =	shalt  }
0x50: {  	_ =	shalt  }
0x51: {  	_ =	shalt  }
0x52: {  	_ =	shalt  }
0x53: {  	_ =	shalt  }
0x54: {  	_ =	shalt  }
0x55: {  	_ =	shalt  }
0x56: {  	_ =	shalt  }
0x57: {  	_ =	shalt  }
0x58: {  	_ =	shalt  }
0x59: {  	_ =	shalt  }
0x5a: {  	_ =	shalt  }
0x5b: {  	_ =	shalt  }
0x5c: {  	_ =	shalt  }
0x5d: {  	_ =	shalt  }
0x5e: {  	_ =	shalt  }
0x5f: {  	_ =	shalt  }
0x60: {  	_ =	shalt  }
0x61: {  	_ =	shalt  }
0x62: {  	_ =	shalt  }
0x63: {  	_ =	shalt  }
0x64: {  	_ =	shalt  }
0x65: {  	_ =	shalt  }
0x66: {  	_ =	shalt  }
0x67: {  	_ =	shalt  }
0x68: {  	_ =	shalt  }
0x69: {  	_ =	shalt  }
0x6a: {  	_ =	shalt  }
0x6b: {  	_ =	shalt  }
0x6c: {  	_ =	shalt  }
0x6d: {  	_ =	shalt  }
0x6e: {  	_ =	shalt  }
0x6f: {  	_ =	shalt  }
0x70: {  	_ =	shalt  }
0x71: {  	_ =	shalt  }
0x72: {  	_ =	shalt  }
0x73: {  	_ =	shalt  }
0x74: {  	_ =	shalt  }
0x75: {  	_ =	shalt  }
0x76: {  	_ =	shalt  }
0x77: {  	_ =	shalt  }
0x78: {  	_ =	shalt  }
0x79: {  	_ =	shalt  }
0x7a: {  	_ =	shalt  }
0x7b: {  	_ =	shalt  }
0x7c: {  	_ =	shalt  }
0x7d: {  	_ =	shalt  }
0x7e: {  	_ =	shalt  }
0x7f: {  	_ =	shalt  }
0x80: {  	_ =	shalt  }
0x81: {  	_ =	shalt  }
0x82: {  	_ =	shalt  }
0x83: {  	_ =	shalt  }
0x84: {  	_ =	shalt  }
0x85: {  	_ =	shalt  }
0x86: {  	_ =	shalt  }
0x87: {  	_ =	shalt  }
.Lfunc_end0:
.L_simem_size_0:
called_computation.3_lowered:
.L_overlay_start_0:
0x88: {  	s2 =	sld [smem:$0x3FD9]  }
0x89: {  	s3 =	sld [smem:$0x3FFE];
	_ =	sdelay $0x1  }
0x8a: {  	s1 =	srdreg.scid  }
0x8b: {  	s0 =	sand.u32 $0x1, s1  }
0x8c: {  	s16 =	sshll.u32 s0, $0xA;
	s2 =	sadd.s32 s3, s2  }
0x8d: {  	s2 =	sadd.s32 s2, s16  }
0x8e: {  	[smem:$0x3FBC] =	sst s2  }
0x8f: {  	_ = 	snop  }
0x90: {  	(tm) =	ssettm $0x1  }
0x91: {  	s17 =	sld [smem:$0x3FFB];
	_ =	sdelay $0x3  }
0x92: {  	_ =	strace s17  }
0x93: {  	s2 =	sld [smem:$0x3FFC];
	_ =	sdelay $0x3  }
0x94: {  	_ =	strace s2  }
0x95: {  	s2 =	sld [smem:$0x3FFD];
	_ =	sdelay $0x3  }
0x96: {  	_ =	strace s2  }
0x97: {  	_ =	strace $0x8FFFFFFF  }
0x98: {  	s18 =	sld [smem:$0x3FDB];
	_ =	sdelay $0x1  }
0x99: {  	s19 =	simm.s32 $_scs_section_size  }
0x9a: {  	s4 =	simm.s32 $_size__tile_overlayer_lowered;
	s5 =	simm.s32 $_tile_overlayer_lowered  }
0x9b: {  	s22 =	simm.s32 $0x1BFF;
	s21 =	sshll.u32 s5, $0x1;
	s2 =	sadd.s32 s19, s18  }
0x9c: {  	s6 =	simm.s32 $0x0;
	s20 =	sshll.u32 s4, $0x1;
	s4 =	sadd.s32 s21, s2  }
0x9d: {  	[timem:s6], [sflag:s22] =	dma.local [hbm:s4], s20  }
0x9e: {  	_ =	swait.ge [sflag:s22], s20  }
0x9f: {  	s3 =	ssub.s32 $0x0, s20;
	[sflag:s22] =	ssyncset.done $0x0  }
0xa0: {  	[sflag:s22] =	ssyncadd.s32 s3;
	_ =	sdelay $0x1  }
0xa1: {  	s23 =	simm.s32 $0x1B8B  }
0xa2: {  	_ =	swait.ge [sflag:s23], $0x1  }
0xa3: {  	[sflag:s23] =	ssyncset.done $0x0  }
0xa4: {  	s25 =	simm.s32 $0x1B8E;
	s24 =	sld [smem:$0x3FFE];
	[sflag:s23] =	ssyncadd.s32 $0xFFFFFFFF  }
0xa5: {  	s26 =	simm.s32 $execute0_lowered;
	[smem:$0x3FD2] =	sst s25  }
0xa6: {  	s4 =	sshll.u32 s26, $0x1;
	_ =	strace $0x8000004F;
	[dreg:$0x1] =	wrdreg $0xFFFFFFFF  }
0xa7: {  	s28 =	simm.s32 $_size_execute0_lowered;
	s2 =	sadd.s32 s2, s4;
	[dreg:$0x0] =	wrdreg $0x0  }
0xa8: {  	s4 =	sshll.u32 s28, $0x1;
	[dreg:$0x2] =	wrdreg s2  }
0xa9: {  	[dreg:$0x3] =	wrdreg s4  }
0xaa: {  	[dreg:$0x4] =	wrdreg $0xC0  }
0xab: {  	_ =	task [dreg:s6], $0x5FFFF  }
0xac: {  	[dreg:$0x1] =	wrdreg $0xFFFFFFFF  }
0xad: {  	[dreg:$0x0] =	wrdreg $0x60  }
0xae: {  	[dreg:$0x2] =	wrdreg s24  }
0xaf: {  	[dreg:$0x3] =	wrdreg $0xA8000  }
0xb0: {  	[dreg:$0x4] =	wrdreg $0x9  }
0xb1: {  	_ =	task.clear_ibuf [dreg:s6], $0x5FFFF;
	_ =	strace $0x9000004F  }
0xb2: {  	s29 =	simm.s32 $0x9;
	_ =	strace $0x80000051  }
0xb3: {  	_ =	swait.ge [sflag:s29], $0x1  }
0xb4: {  	[sflag:s29] =	ssyncadd.s32 $0xFFFFFFFF  }
0xb5: {  	_ =	strace $0x90000051  }
0xb6: {  	_ =	sfence  }
0xb7: {  	s30 =	sld [smem:$0x0];
	_ =	sdelay $0x2  }
0xb8: {  	s31 =	sshll.u32 s1, $0xD;
	s1 =	sshrl.u32 s1, $0x2  }
0xb9: {  	s3 =	sand.u32 $0x4000, s31;
	s1 =	sadd.s32 s1, s30  }
0xba: {  	s0 =	sor.u32 s3, s0;
	s1 =	sshll.u32 s1, $0x11  }
0xbb: {  	s0 =	sor.u32 s1, s0  }
0xbc: {  	s0 =	sadd.s32 $0x8F2B, s0  }
0xbd: {  	[sflag:s0] =	ssyncadd.remote.s32 $0x1  }
0xbe: {  	_ =	sfence.sel $0xFFFF  }
0xbf: {  	[dreg:$0x0] =	wrdreg $0xFFFFFFFF;
	(pc) =	sbr.abs _section_cstart, $3  }
0xc0: {  	[dreg:$0x1] =	wrdreg $0xFFFFFFFF  }
0xc1: {  	_ =	task.clear_ibuf [dreg:s6], $0x2FFFF;
	_ =	strace $0x9FFFFFFF  }
0xc2: {  	(tm) =	ssettm $0x7FFFFFFF  }
0xc3: {  	_ =	shalt  }
tec
execute0_lowered:
.L_overlay_start_1:
0x0: {  	(tag) =	ssettag $0x1  }
0x1: {  	s5 =	rddreg [dreg:$0x0]  }
0x2: {  	s1 =	rddreg [dreg:$0x1]  }
0x3: {  	s0 =	rddreg [dreg:$0x2]  }
0x4: {  	s3 =	simm.s32 $0x0;
	s2 =	srdreg.scid;
	s17 =	simm.s32 $0x2  }
0x5: {  	s18 =	simm.s32 $0x4000;
	s19 =	simm.s32 $0x8000;
	s20 =	simm.s32 $0x50  }
0x6: {  	s21 =	simm.s32 $0x1;
	s24 =	simm.s32 $0x0;
	[smem:$0x7FF] =	sst s3  }
0x7: {  	s6 =	sand.u32 $0x1, s2;
	s2 =	stileid.u32;
	s4 =	sadd.s32 $0x73600, s5  }
0x8: {  	s7 =	smul.u32 $0x140000, s6;
	s8 =	sshll.u32 s6, $0xF;
	s9 =	sshll.u32 s2, $0xB  }
0x9: {  	s10 =	smul.u32 $0x14000, s2;
	_ =	strace $0x80000050;
	s6 =	ssub.s32 $0x2, s6  }
0xa: {  	s29 =	smul.u32 $0x50000, s2;
	s22 =	sshll.u32 s2, $0x6;
	s8 =	sor.u32 s9, s8  }
0xb: {  	s30 =	sshrl.u32 s6, $0x1;
	s22 =	sor.u32 $0x1C02, s22;
	s7 =	sadd.s32 s10, s7  }
0xc: {  	s8 =	sadd.s32 s8, s5;
	s10 =	ssub.s32 s6, s30;
	s31 =	sshrl.u32 s29, $0x2  }
0xd: {  	s7 =	sshrl.u32 s7, $0x3;
	s6 =	sadd.s32 $0x3600, s8;
	s9 =	smax.u32 s10, $0x1  }
0xe: {  	s11 =	sadd.s32 s7, s5;
	s5 =	sadd.s32 $0x63600, s8;
	s7 =	sadd.s32 s31, s1  }
0xf: {  	s8 =	sadd.s32 $0x9A800, s11;
	s10 =	sadd.s32 $0x2800, s7;
	s11 =	sadd.s32 $0x5000, s7  }
0x10: {  	s12 =	sadd.s32 $0x7800, s7;
	s13 =	sadd.s32 $0xA000, s7;
	s14 =	sadd.s32 $0xC800, s7  }
0x11: {  	v0 =	vimm.f32 $0.0e+00;
	s15 =	sadd.s32 $0xF000, s7;
	s16 =	sadd.s32 $0x11800, s7;
	s23 =	sshrl.u32 s7, $0x3  }
.LBB2_1:
0x12: {  	[tilespmem:s3], [sflag:$0x2] =	stream.linear.gather [hbm4b:s5+s3], $0x3E80, $0x38;
	[tilespmem:$0x1E800] =	vst v63  }
0x13: {  	_ =	swait.ge [sflag:s17], $0x3E80  }
0x14: {  	[sflag:s17] =	ssyncset.done $0x0  }
0x15: {  	[sflag:s17] =	ssyncadd.s32 $0xFFFFC180  }
0x16: {  	[tilespmem:s18], [sflag:$0x2] =	stream.linear.gather [hbm4b:s6+s3], $0x3E80, $0x38;
	[tilespmem:$0x1E800] =	vst v63  }
0x17: {  	s25 =	sand.u32 $0xFE00, s3;
	s26 =	sand.u32 $0x70, s3;
	_ =	swait.ge [sflag:s17], $0x3E80  }
0x18: {  	s28 =	sshrl.u32 s25, $0x2;
	s25 =	simm.s32 $0x40;
	[sflag:s17] =	ssyncset.done $0x0  }
0x19: {  	s28 =	sor.u32 s26, s28;
	s26 =	simm.s32 $0x0;
	[sflag:s17] =	ssyncadd.s32 $0xFFFFC180  }
.LBB2_2:
0x1a: {  	p0 =	sne.s32 s25, $0x9FC0  }
0x1b: {  	[tilespmem:s28+$0x8000] =	vst v0;
	s26 =	sadd.s32 $0x10, s26;
	s28 =	smov.u32 s25;
	s25 =	sadd.s32 $0x40, s25  }
.Ltmp0:
0x1c: {  	(pc) =	sbr.rel @p0 .LBB2_2-.Ltmp0, $4  }
0x1d: {  	_ = 	snop  }
0x1e: {  	s28 =	sand.u32 $0xFE00, s28  }
0x1f: {  	s29 =	sand.u32 $0x70, s26;
	s28 =	sshrl.u32 s28, $0x2  }
0x20: {  	s28 =	sor.u32 s29, s28  }
0x21: {  	[tilespmem:s28+$0x8000] =	vst v0  }
0x22: {  	[spmem:s7] =	stream.linear.scatter [tilespmem:s19], [sflag:$0x2], $0x2800, $0x38;
	[tilespmem:$0x1E800] =	vst v63  }
0x23: {  	_ =	swait.ge [sflag:s17], $0x2800  }
0x24: {  	[sflag:s17] =	ssyncset.done $0x0  }
0x25: {  	[sflag:s17] =	ssyncadd.s32 $0xFFFFD800  }
0x26: {  	[spmem:s10] =	stream.linear.scatter [tilespmem:s19], [sflag:$0x2], $0x2800, $0x38;
	[tilespmem:$0x1E800] =	vst v63  }
0x27: {  	_ =	swait.ge [sflag:s17], $0x2800  }
0x28: {  	[sflag:s17] =	ssyncset.done $0x0  }
0x29: {  	[sflag:s17] =	ssyncadd.s32 $0xFFFFD800  }
0x2a: {  	[spmem:s11] =	stream.linear.scatter [tilespmem:s19], [sflag:$0x2], $0x2800, $0x38;
	[tilespmem:$0x1E800] =	vst v63  }
0x2b: {  	_ =	swait.ge [sflag:s17], $0x2800  }
0x2c: {  	[sflag:s17] =	ssyncset.done $0x0  }
0x2d: {  	[sflag:s17] =	ssyncadd.s32 $0xFFFFD800  }
0x2e: {  	[spmem:s12] =	stream.linear.scatter [tilespmem:s19], [sflag:$0x2], $0x2800, $0x38;
	[tilespmem:$0x1E800] =	vst v63  }
0x2f: {  	_ =	swait.ge [sflag:s17], $0x2800  }
0x30: {  	[sflag:s17] =	ssyncset.done $0x0  }
0x31: {  	[sflag:s17] =	ssyncadd.s32 $0xFFFFD800  }
0x32: {  	[spmem:s13] =	stream.linear.scatter [tilespmem:s19], [sflag:$0x2], $0x2800, $0x38;
	[tilespmem:$0x1E800] =	vst v63  }
0x33: {  	_ =	swait.ge [sflag:s17], $0x2800  }
0x34: {  	[sflag:s17] =	ssyncset.done $0x0  }
0x35: {  	[sflag:s17] =	ssyncadd.s32 $0xFFFFD800  }
0x36: {  	[spmem:s14] =	stream.linear.scatter [tilespmem:s19], [sflag:$0x2], $0x2800, $0x38;
	[tilespmem:$0x1E800] =	vst v63  }
0x37: {  	_ =	swait.ge [sflag:s17], $0x2800  }
0x38: {  	[sflag:s17] =	ssyncset.done $0x0  }
0x39: {  	[sflag:s17] =	ssyncadd.s32 $0xFFFFD800  }
0x3a: {  	[spmem:s15] =	stream.linear.scatter [tilespmem:s19], [sflag:$0x2], $0x2800, $0x38;
	[tilespmem:$0x1E800] =	vst v63  }
0x3b: {  	_ =	swait.ge [sflag:s17], $0x2800  }
0x3c: {  	[sflag:s17] =	ssyncset.done $0x0  }
0x3d: {  	[sflag:s17] =	ssyncadd.s32 $0xFFFFD800  }
0x3e: {  	[spmem:s16] =	stream.linear.scatter [tilespmem:s19], [sflag:$0x2], $0x2800, $0x38;
	[tilespmem:$0x1E800] =	vst v63  }
0x3f: {  	_ =	swait.ge [sflag:s17], $0x2800  }
0x40: {  	[sflag:s17] =	ssyncset.done $0x0  }
0x41: {  	[sflag:s17] =	ssyncadd.s32 $0xFFFFD800  }
0x42: {  	s25 =	simm.s32 $0x0;
	[bflag:$0x0] =	sbarrier.arrive $0xFFFF  }
0x43: {  	[tilespmem:s19], [sflag:$0x1] =	stream.indirect.gather [hbm4b:s4+s20], $0x80, s25, s20, $0xb8;
	[tilespmem:$0x1E800] =	vst v63  }
0x44: {  	_ =	swait.ge [sflag:s21], $0x2800  }
0x45: {  	[sflag:s21] =	ssyncset.done $0x0  }
0x46: {  	s31 =	simm.s32 $0x4000;
	[sflag:s21] =	ssyncadd.s32 $0xFFFFD800  }
0x47: {  	[spmem:s1] =	stream.indirect.scatter.add.f32 [tilespmem:s19], [sflag:$0x2], $0x80, s31, s20, $0xb8;
	[tilespmem:$0x1E800] =	vst v63  }
0x48: {  	_ =	swait.ge [sflag:s17], $0x2800  }
0x49: {  	s26 =	simm.s32 $0x400;
	s25 =	simm.s32 $0x200;
	[sflag:s17] =	ssyncset.done $0x0  }
.LBB2_4:
0x4a: {  	s28 =	sshra.s32 s25, $0x2  }
0x4b: {  	[sflag:s17] =	ssyncadd.s32 $0xFFFFD800;
	s25 =	smov.u32 s26;
	s29 =	sadd.s32 $0x200, s26  }
0x4c: {  	[tilespmem:s19], [sflag:$0x1] =	stream.indirect.gather [hbm4b:s4+s20], $0x80, s28, s20, $0xb8;
	[tilespmem:$0x1E800] =	vst v63  }
0x4d: {  	p0 =	sne.s32 s26, $0xF800;
	_ =	swait.ge [sflag:s21], $0x2800  }
.Ltmp1:
0x4e: {  	[sflag:s21] =	ssyncset.done $0x0;
	(pc) =	sbr.rel @p0 .LBB2_4-.Ltmp1, $4  }
0x4f: {  	s26 =	sadd.s32 $0x4000, s28;
	[sflag:s21] =	ssyncadd.s32 $0xFFFFD800  }
0x50: {  	[spmem:s1] =	stream.indirect.scatter.add.f32 [tilespmem:s19], [sflag:$0x2], $0x80, s26, s20, $0xb8;
	[tilespmem:$0x1E800] =	vst v63  }
0x51: {  	_ =	swait.ge [sflag:s17], $0x2800  }
0x52: {  	s26 =	smov.u32 s29;
	[sflag:s17] =	ssyncset.done $0x0  }
0x53: {  	s25 =	sshra.s32 s25, $0x2;
	[sflag:s17] =	ssyncadd.s32 $0xFFFFD800  }
0x54: {  	[tilespmem:s19], [sflag:$0x1] =	stream.indirect.gather [hbm4b:s4+s20], $0x80, s25, s20, $0xb8;
	[tilespmem:$0x1E800] =	vst v63  }
0x55: {  	_ =	swait.ge [sflag:s21], $0x2800  }
0x56: {  	[sflag:s21] =	ssyncset.done $0x0  }
0x57: {  	s25 =	sadd.s32 $0x4000, s25;
	[sflag:s21] =	ssyncadd.s32 $0xFFFFD800  }
0x58: {  	[spmem:s1] =	stream.indirect.scatter.add.f32 [tilespmem:s19], [sflag:$0x2], $0x80, s25, s20, $0xb8;
	[tilespmem:$0x1E800] =	vst v63  }
0x59: {  	_ =	swait.ge [sflag:s17], $0x2800  }
0x5a: {  	s24 =	sadd.s32 $0x1, s24;
	[sflag:s17] =	ssyncset.done $0x0  }
0x5b: {  	p0 =	sne.s32 s24, s9;
	[sflag:s17] =	ssyncadd.s32 $0xFFFFD800  }
.Ltmp2:
0x5c: {  	[bflag:$0x0] =	sbarrier.arrive $0xFFFF;
	(pc) =	sbr.rel @p0 .LBB2_1-.Ltmp2, $4  }
0x5d: {  	[hbm:s8], [sflag:s22] =	dma.local [spmem:s23], $0x2800  }
0x5e: {  	_ =	swait.ge [sflag:s17], $0x2800  }
0x5f: {  	[sflag:s17] =	ssyncset.done $0x0  }
0x60: {  	[sflag:s17] =	ssyncadd.s32 $0xFFFFD800  }
0x61: {  	_ =	sfence.sel $0x180000  }
0x62: {  	[bflag:$0x0] =	sbarrier.arrive $0xFFFF  }
0x63: {  	p0 =	sne.s32 s2, $0x0;
	_ =	strace $0x90000050  }
0x64: {  	s0 =	sadd.s32 @!p0 $0x100000, s0;
	[bflag:$0x2] =	sbarrier.arrive $0xFFFF  }
0x65: {  	[sflag:s0] =	ssyncadd.tile.s32 @!p0 $0x1;
	_ =	shalt  }
.Lfunc_end2:
_tile_overlayer_lowered:
.L_overlay_start_2:
0x66: {  	(tag) =	ssettag $0x2  }
0x67: {  	s0 =	rddreg [dreg:$0x0];
	s2 =	stileid.u32  }
0x68: {  	s1 =	rddreg [dreg:$0x1];
	p0 =	sne.s32 s2, $0x0  }
0x69: {  	s3 =	rddreg [dreg:$0x2];
	[bflag:$0x3] =	sbarrier.arrive $0xFFFF;
	s2 =	simm.s32 @!p0 $0x1C02  }
0x6a: {  	[timem:s3], [sflag:s2] =	dma.local @!p0 [hbm:s0], s1  }
0x6b: {  	s0 =	simm.s32 @!p0 $0x2  }
0x6c: {  	_ =	swait.ge @!p0 [sflag:s0], s1  }
0x6d: {  	s1 =	ssub.s32 @!p0 $0x0, s1;
	[sflag:s0] =	ssyncset.done @!p0 $0x0  }
0x6e: {  	[sflag:s0] =	ssyncadd.s32 @!p0 s1  }
0x6f: {  	[bflag:$0x3] =	sbarrier.arrive $0xFFFF  }
0x70: {  	_ =	shalt  }

</sc_bundles>
